<compile_context>
chip_gen: v7x
topology: tpu7x:2x2x1
jax: 0.10.2.dev20260603
libtpu: 0.0.44.dev20260713+nightly
codegen_flags: <defaults>
</compile_context>

<pallas_src>
import functools

import jax
import jax.numpy as jnp
from jax import lax
from jax.experimental import pallas as pl
from jax.experimental.pallas import tpu as pltpu
from jax.experimental.pallas import tpu_sc as plsc

N = 10000
E = 320000
FEAT = 128
HID = 32
EMB = 16

NC = 2
NS = 16
NW = NC * NS
CH = 128
KCH = 80
EPAD = NW * KCH * CH
NPAD = 10240
RPW = NPAD // NS
NB = 5

_mesh = functools.partial(
    plsc.VectorSubcoreMesh,
    core_axis_name="c",
    subcore_axis_name="s",
    num_cores=NC,
    num_subcores=NS,
)
_SC_PARAMS = pltpu.CompilerParams(use_tc_tiling_on_sc=False)


@functools.partial(
    pl.kernel,
    out_type=jax.ShapeDtypeStruct((NC * NPAD, 1), jnp.float32),
    mesh=_mesh(),
    compiler_params=_SC_PARAMS,
    scratch_types=[
        pltpu.VMEM((KCH, CH), jnp.int32),
        pltpu.VMEM((CH, 1), jnp.float32),
        pltpu.VMEM_SHARED((NPAD, 1), jnp.float32),
    ],
)
def _deg_kernel(dst_hbm, ones_hbm, zero_hbm, out_hbm, dst_v, ones_v, deg_sh):
    cid = lax.axis_index("c")
    sid = lax.axis_index("s")
    w = cid * NS + sid
    pltpu.sync_copy(dst_hbm.at[pl.ds(w * KCH, KCH)], dst_v)
    pltpu.sync_copy(ones_hbm, ones_v)
    pltpu.sync_copy(zero_hbm.at[pl.ds(sid * RPW, RPW)],
                    deg_sh.at[pl.ds(sid * RPW, RPW)])
    plsc.subcore_barrier()

    def body(c, carry):
        pltpu.sync_copy(ones_v, deg_sh.at[dst_v.at[c]], add=True)
        return carry

    lax.fori_loop(0, KCH, body, 0)
    plsc.subcore_barrier()
    pltpu.sync_copy(deg_sh.at[pl.ds(sid * RPW, RPW)],
                    out_hbm.at[pl.ds(cid * NPAD + sid * RPW, RPW)])


def _make_agg_kernel(D):
    @functools.partial(
        pl.kernel,
        out_type=jax.ShapeDtypeStruct((NC * NPAD, D), jnp.float32),
        mesh=_mesh(),
        compiler_params=_SC_PARAMS,
        scratch_types=[
            pltpu.VMEM((KCH, CH), jnp.int32),
            pltpu.VMEM((KCH, CH), jnp.int32),
        ] + [pltpu.VMEM((CH, D), jnp.float32)] * NB + [
            pltpu.VMEM_SHARED((NPAD, D), jnp.float32),
        ] + [pltpu.SemaphoreType.DMA] * NB,
    )
    def agg_kernel(hs_hbm, src_hbm, dst_hbm, zero_hbm, out_hbm,
                   src_v, dst_v, *rest):
        rows_b = rest[:NB]
        agg_sh = rest[NB]
        sems = rest[NB + 1:]
        cid = lax.axis_index("c")
        sid = lax.axis_index("s")
        w = cid * NS + sid
        pltpu.sync_copy(src_hbm.at[pl.ds(w * KCH, KCH)], src_v)
        pltpu.sync_copy(dst_hbm.at[pl.ds(w * KCH, KCH)], dst_v)
        pltpu.sync_copy(zero_hbm.at[pl.ds(sid * RPW, RPW)],
                        agg_sh.at[pl.ds(sid * RPW, RPW)])
        plsc.subcore_barrier()

        for b in range(NB):
            pltpu.async_copy(hs_hbm.at[src_v.at[b]], rows_b[b], sems[b])

        def group(j, carry):
            c0 = j * NB
            for b in range(NB):
                c = c0 + b
                pltpu.make_async_copy(
                    hs_hbm.at[src_v.at[c]], rows_b[b], sems[b]).wait()
                pltpu.sync_copy(rows_b[b], agg_sh.at[dst_v.at[c]],
                                add=True)
                pltpu.async_copy(
                    hs_hbm.at[src_v.at[c + NB]], rows_b[b], sems[b])
            return carry

        lax.fori_loop(0, KCH // NB - 1, group, 0)
        c0 = KCH - NB
        for b in range(NB):
            c = c0 + b
            pltpu.make_async_copy(
                hs_hbm.at[src_v.at[c]], rows_b[b], sems[b]).wait()
            pltpu.sync_copy(rows_b[b], agg_sh.at[dst_v.at[c]], add=True)

        plsc.subcore_barrier()
        pltpu.sync_copy(agg_sh.at[pl.ds(sid * RPW, RPW)],
                        out_hbm.at[pl.ds(cid * NPAD + sid * RPW, RPW)])

    return agg_kernel


_agg32 = _make_agg_kernel(HID)
_agg16 = _make_agg_kernel(EMB)


def _k1_body(degp_ref, x_ref, w1_ref, h1s_ref, dinv_ref):
    degp = degp_ref[...]
    deg = degp[0] + degp[1] + 1.0
    dinv = lax.rsqrt(deg)
    h1 = jnp.dot(x_ref[...], w1_ref[...], preferred_element_type=jnp.float32)
    h1s_ref[...] = h1 * dinv
    dinv_ref[...] = dinv


def _k2_body(aggp_ref, h1s_ref, dinv_ref, b1_ref, w2_ref, h2s_ref):
    aggp = aggp_ref[...]
    dinv = dinv_ref[...]
    a = aggp[0] + aggp[1] + h1s_ref[...]
    out1 = jnp.maximum(a * dinv + b1_ref[...], 0.0)
    h2 = jnp.dot(out1, w2_ref[...], preferred_element_type=jnp.float32)
    h2s_ref[...] = h2 * dinv


def _k3_body(aggp_ref, h2s_ref, dinv_ref, b2_ref, out_ref):
    aggp = aggp_ref[...]
    out_ref[...] = (aggp[0] + aggp[1] + h2s_ref[...]) * dinv_ref[...] \
        + b2_ref[...]


_k1 = pl.pallas_call(
    _k1_body,
    out_shape=(jax.ShapeDtypeStruct((NPAD, HID), jnp.float32),
               jax.ShapeDtypeStruct((NPAD, 1), jnp.float32)),
)

_k2 = pl.pallas_call(
    _k2_body,
    out_shape=jax.ShapeDtypeStruct((NPAD, EMB), jnp.float32),
)

_k3 = pl.pallas_call(
    _k3_body,
    out_shape=jax.ShapeDtypeStruct((NPAD, EMB), jnp.float32),
)


def kernel(x, ei, mask_new, mask_old, embeds, W1, b1, W2, b2):
    pad = EPAD - E
    src_r = jnp.concatenate(
        [ei[0], jnp.zeros((pad,), jnp.int32)]).reshape(NW * KCH, CH)
    dst_r = jnp.concatenate(
        [ei[1], jnp.full((pad,), N, jnp.int32)]).reshape(NW * KCH, CH)
    xp = jnp.pad(x, ((0, NPAD - N), (0, 0)))
    ones_col = jnp.ones((CH, 1), jnp.float32)
    zeros1 = jnp.zeros((NPAD, 1), jnp.float32)
    zeros32 = jnp.zeros((NPAD, HID), jnp.float32)
    zeros16 = jnp.zeros((NPAD, EMB), jnp.float32)

    degp = _deg_kernel(dst_r, ones_col, zeros1)
    h1s, dinv = _k1(degp.reshape(NC, NPAD, 1), xp, W1)
    agg1 = _agg32(h1s, src_r, dst_r, zeros32)
    h2s = _k2(agg1.reshape(NC, NPAD, HID), h1s, dinv, b1.reshape(1, HID), W2)
    agg2 = _agg16(h2s, src_r, dst_r, zeros16)
    out = _k3(agg2.reshape(NC, NPAD, EMB), h2s, dinv, b2.reshape(1, EMB))
    return out[:N]

# --- scband reference (transcript-rebuilt; emitter-appended) ---
"""Pipeline reference for scband-gae-19301583028816 (READ-ONLY COPY).

The authoritative reference and input builder live on the scoring server;
editing this copy changes nothing except your own understanding.
"""

import jax, jax.numpy as jnp
import numpy as np

N = 10000
E = 320000
FEAT = 128
HID = 32
EMB = 16


def _gcn_layer(x, src, dst, W, b, n):
    # GCNConv: linear transform, then symmetric-normalized scatter-add aggregation
    h = x @ W
    ones = jnp.ones((src.shape[0],), dtype=h.dtype)
    deg = jnp.zeros((n,), dtype=h.dtype).at[dst].add(ones)
    dinv = jnp.where(deg > 0, jax.lax.rsqrt(jnp.maximum(deg, 1e-12)), 0.0)
    norm = dinv[src] * dinv[dst]
    msgs = norm[:, None] * jnp.take(h, src, axis=0)
    out = jnp.zeros_like(h).at[dst].add(msgs)
    return out + b


def setup_inputs(seed: int = 0) -> dict:
    key = jax.random.key(seed)
    ks = jax.random.split(key, 8)
    x = jax.random.normal(ks[0], (N, FEAT), dtype=jnp.float32)
    ei = jax.random.randint(ks[1], (2, E), 0, N, dtype=jnp.int32)
    mask_new = jnp.zeros((N,), dtype=bool)
    mask_old = jnp.zeros((N,), dtype=bool)
    embeds = jax.random.normal(ks[2], (N, EMB), dtype=jnp.float32)
    W1 = jax.random.normal(ks[3], (FEAT, HID), dtype=jnp.float32) * (1.0 / np.sqrt(FEAT))
    b1 = jnp.zeros((HID,), dtype=jnp.float32)
    W2 = jax.random.normal(ks[4], (HID, EMB), dtype=jnp.float32) * (1.0 / np.sqrt(HID))
    b2 = jnp.zeros((EMB,), dtype=jnp.float32)
    return {"x": x, "ei": ei, "mask_new": mask_new, "mask_old": mask_old,
            "embeds": embeds, "W1": W1, "b1": b1, "W2": W2, "b2": b2}


def reference(x, ei, mask_new, mask_old, embeds, W1, b1, W2, b2):
    # Eval-mode: DropEdge(0.8) and Dropout(0.25) are identity.
    n = x.shape[0]
    loop = jnp.arange(n, dtype=ei.dtype)
    src = jnp.concatenate([ei[0], loop])
    dst = jnp.concatenate([ei[1], loop])
    h = _gcn_layer(x, src, dst, W1, b1, n)
    h = jax.nn.relu(h)
    out = _gcn_layer(h, src, dst, W2, b2, n)
    return out

if __name__ == "__main__":
    import jax
    _d = setup_inputs()
    print(jax.jit(kernel)(*tuple(_d.values())))

</pallas_src>

<mosaic_0001>
#map = affine_map<(d0, d1) -> (0, 0)>
module attributes {stable_mosaic.version = 14 : i64} {
  func.func @_deg_kernel(%arg0: i32, %arg1: i32, %arg2: memref<2560x128xi32, #tpu.memory_space<hbm>>, %arg3: memref<128x1xf32, #tpu.memory_space<hbm>>, %arg4: memref<10240x1xf32, #tpu.memory_space<hbm>>, %arg5: memref<20480x1xf32, #tpu.memory_space<hbm>>, %arg6: memref<80x128xi32, #tpu.memory_space<vmem>>, %arg7: memref<128x1xf32, #tpu.memory_space<vmem>>, %arg8: memref<10240x1xf32, #tpu.memory_space<vmem_shared>>) attributes {dimension_semantics = [#tpu.dimension_semantics<core_parallel>, #tpu.dimension_semantics<subcore_parallel>], iteration_bounds = array<i64: 2, 16>, scalar_prefetch = 0 : i64, scratch_operands = 3 : i64, tpu.core_type = #tpu.core_type<sc_vector_subcore>, window_params = [{transform_indices = #map}, {transform_indices = #map}, {transform_indices = #map}, {transform_indices = #map}]} {
    %mul3A = arith.constant 16 : i32
    %mul3A_0 = arith.muli %arg0, %mul3A : i32
    %add3A = arith.addi %mul3A_0, %arg1 : i32
    %mul3A_1 = arith.constant 80 : i32
    %mul3A_2 = arith.muli %add3A, %mul3A_1 : i32
    "tpu.region"() ({
      %run_scoped3A = tpu.sem_alloc : memref<!tpu.dma_semaphore, #tpu.memory_space<semaphore_mem>>
      %dma_start3A = arith.constant 0 : i32
      %dma_start3A_20 = tpu.memref_slice %arg2[%mul3A_2, %dma_start3A] : memref<2560x128xi32, #tpu.memory_space<hbm>> -> memref<80x128xi32, #tpu.memory_space<hbm>>
      %dma_start3A_21 = arith.constant 0 : i32
      %dma_start3A_22 = tpu.memref_slice %arg2[%mul3A_2, %dma_start3A_21] : memref<2560x128xi32, #tpu.memory_space<hbm>> -> memref<80x128xi32, #tpu.memory_space<hbm>>
      tpu.enqueue_dma source(%dma_start3A_22 : memref<80x128xi32, #tpu.memory_space<hbm>>) target(%arg6 : memref<80x128xi32, #tpu.memory_space<vmem>>) target_semaphore(%run_scoped3A : memref<!tpu.dma_semaphore, #tpu.memory_space<semaphore_mem>>)
      %dma_wait3A = arith.constant 0 : i32
      %dma_wait3A_23 = tpu.memref_slice %arg2[%mul3A_2, %dma_wait3A] : memref<2560x128xi32, #tpu.memory_space<hbm>> -> memref<80x128xi32, #tpu.memory_space<hbm>>
      %dma_wait3A_24 = arith.constant 0 : i32
      %dma_wait3A_25 = tpu.memref_slice %arg2[%mul3A_2, %dma_wait3A_24] : memref<2560x128xi32, #tpu.memory_space<hbm>> -> memref<80x128xi32, #tpu.memory_space<hbm>>
      tpu.wait_dma2 semaphore(%run_scoped3A : memref<!tpu.dma_semaphore, #tpu.memory_space<semaphore_mem>>) src(%dma_wait3A_25 : memref<80x128xi32, #tpu.memory_space<hbm>>) dst(%arg6 : memref<80x128xi32, #tpu.memory_space<vmem>>)
      tpu.yield
    }) : () -> ()
    "tpu.region"() ({
      %run_scoped3A = tpu.sem_alloc : memref<!tpu.dma_semaphore, #tpu.memory_space<semaphore_mem>>
      tpu.enqueue_dma source(%arg3 : memref<128x1xf32, #tpu.memory_space<hbm>>) target(%arg7 : memref<128x1xf32, #tpu.memory_space<vmem>>) target_semaphore(%run_scoped3A : memref<!tpu.dma_semaphore, #tpu.memory_space<semaphore_mem>>)
      tpu.wait_dma2 semaphore(%run_scoped3A : memref<!tpu.dma_semaphore, #tpu.memory_space<semaphore_mem>>) src(%arg3 : memref<128x1xf32, #tpu.memory_space<hbm>>) dst(%arg7 : memref<128x1xf32, #tpu.memory_space<vmem>>)
      tpu.yield
    }) : () -> ()
    %mul3A_3 = arith.constant 640 : i32
    %mul3A_4 = arith.muli %arg1, %mul3A_3 : i32
    %mul3A_5 = arith.constant 640 : i32
    %mul3A_6 = arith.muli %arg1, %mul3A_5 : i32
    "tpu.region"() ({
      %run_scoped3A = tpu.sem_alloc : memref<!tpu.dma_semaphore, #tpu.memory_space<semaphore_mem>>
      %dma_start3A = arith.constant 0 : i32
      %dma_start3A_20 = tpu.memref_slice %arg8[%mul3A_6, %dma_start3A] : memref<10240x1xf32, #tpu.memory_space<vmem_shared>> -> memref<640x1xf32, #tpu.memory_space<vmem_shared>>
      %dma_start3A_21 = arith.constant 0 : i32
      %dma_start3A_22 = tpu.memref_slice %arg4[%mul3A_4, %dma_start3A_21] : memref<10240x1xf32, #tpu.memory_space<hbm>> -> memref<640x1xf32, #tpu.memory_space<hbm>>
      tpu.enqueue_dma source(%dma_start3A_22 : memref<640x1xf32, #tpu.memory_space<hbm>>) target(%dma_start3A_20 : memref<640x1xf32, #tpu.memory_space<vmem_shared>>) target_semaphore(%run_scoped3A : memref<!tpu.dma_semaphore, #tpu.memory_space<semaphore_mem>>)
      %dma_wait3A = arith.constant 0 : i32
      %dma_wait3A_23 = tpu.memref_slice %arg8[%mul3A_6, %dma_wait3A] : memref<10240x1xf32, #tpu.memory_space<vmem_shared>> -> memref<640x1xf32, #tpu.memory_space<vmem_shared>>
      %dma_wait3A_24 = arith.constant 0 : i32
      %dma_wait3A_25 = tpu.memref_slice %arg4[%mul3A_4, %dma_wait3A_24] : memref<10240x1xf32, #tpu.memory_space<hbm>> -> memref<640x1xf32, #tpu.memory_space<hbm>>
      tpu.wait_dma2 semaphore(%run_scoped3A : memref<!tpu.dma_semaphore, #tpu.memory_space<semaphore_mem>>) src(%dma_wait3A_25 : memref<640x1xf32, #tpu.memory_space<hbm>>) dst(%dma_wait3A_23 : memref<640x1xf32, #tpu.memory_space<vmem_shared>>)
      tpu.yield
    }) : () -> ()
    %barrier3A = arith.constant 0 : index
    tpu.barrier barrier_id(%barrier3A)
    %scan3A = arith.constant 0 : i32
    %scan3A_7 = arith.constant 0 : i32
    %scan3A_8 = arith.constant 80 : i32
    %scan3A_9 = arith.addi %scan3A_7, %scan3A_8 : i32
    %scan3A_10 = arith.constant 1 : i32
    scf.for %scan3A_20 = %scan3A_7 to %scan3A_9 step %scan3A_10  : i32 {
      "tpu.region"() ({
        %run_scoped3A = tpu.sem_alloc : memref<!tpu.dma_semaphore, #tpu.memory_space<semaphore_mem>>
        %dma_start3A = arith.constant 0 : i32
        %dma_start3A_21 = tpu.memref_slice %arg6[%scan3A_20, %dma_start3A] : memref<80x128xi32, #tpu.memory_space<vmem>> -> memref<1x128xi32, #tpu.memory_space<vmem>>
        %dma_start3A_22 = tpu.memref_squeeze %dma_start3A_21 : memref<1x128xi32, #tpu.memory_space<vmem>> -> memref<128xi32, #tpu.memory_space<vmem>>
        %dma_start3A_23 = arith.constant 0 : i32
        %dma_start3A_24 = arith.constant 0 : i32
        %dma_start3A_25 = tpu.memref_slice %arg8[%dma_start3A_23, %dma_start3A_24] : memref<10240x1xf32, #tpu.memory_space<vmem_shared>> -> memref<10240x1xf32, #tpu.memory_space<vmem_shared>>
        tpu.enqueue_indirect_dma source(%arg7 : memref<128x1xf32, #tpu.memory_space<vmem>>) target(%dma_start3A_25 : memref<10240x1xf32, #tpu.memory_space<vmem_shared>>) offsets(%dma_start3A_22 : memref<128xi32, #tpu.memory_space<vmem>>) semaphore(%run_scoped3A : memref<!tpu.dma_semaphore, #tpu.memory_space<semaphore_mem>>) {add = true}
        %dma_wait3A = arith.constant 0 : i32
        %dma_wait3A_26 = tpu.memref_slice %arg6[%scan3A_20, %dma_wait3A] : memref<80x128xi32, #tpu.memory_space<vmem>> -> memref<1x128xi32, #tpu.memory_space<vmem>>
        %dma_wait3A_27 = tpu.memref_squeeze %dma_wait3A_26 : memref<1x128xi32, #tpu.memory_space<vmem>> -> memref<128xi32, #tpu.memory_space<vmem>>
        %dma_wait3A_28 = arith.constant 0 : i32
        %dma_wait3A_29 = arith.constant 0 : i32
        %dma_wait3A_30 = tpu.memref_slice %arg8[%dma_wait3A_28, %dma_wait3A_29] : memref<10240x1xf32, #tpu.memory_space<vmem_shared>> -> memref<10240x1xf32, #tpu.memory_space<vmem_shared>>
        tpu.wait_indirect_dma semaphore(%run_scoped3A : memref<!tpu.dma_semaphore, #tpu.memory_space<semaphore_mem>>) src(%arg7 : memref<128x1xf32, #tpu.memory_space<vmem>>) dst(%dma_wait3A_30 : memref<10240x1xf32, #tpu.memory_space<vmem_shared>>)
        tpu.yield
      }) : () -> ()
    }
    %scan3A_11 = arith.constant 80 : i32
    %barrier3A_12 = arith.constant 0 : index
    tpu.barrier barrier_id(%barrier3A_12)
    %mul3A_13 = arith.constant 640 : i32
    %mul3A_14 = arith.muli %arg1, %mul3A_13 : i32
    %mul3A_15 = arith.constant 10240 : i32
    %mul3A_16 = arith.muli %arg0, %mul3A_15 : i32
    %mul3A_17 = arith.constant 640 : i32
    %mul3A_18 = arith.muli %arg1, %mul3A_17 : i32
    %add3A_19 = arith.addi %mul3A_16, %mul3A_18 : i32
    "tpu.region"() ({
      %run_scoped3A = tpu.sem_alloc : memref<!tpu.dma_semaphore, #tpu.memory_space<semaphore_mem>>
      %dma_start3A = arith.constant 0 : i32
      %dma_start3A_20 = tpu.memref_slice %arg5[%add3A_19, %dma_start3A] : memref<20480x1xf32, #tpu.memory_space<hbm>> -> memref<640x1xf32, #tpu.memory_space<hbm>>
      %dma_start3A_21 = arith.constant 0 : i32
      %dma_start3A_22 = tpu.memref_slice %arg8[%mul3A_14, %dma_start3A_21] : memref<10240x1xf32, #tpu.memory_space<vmem_shared>> -> memref<640x1xf32, #tpu.memory_space<vmem_shared>>
      tpu.enqueue_dma source(%dma_start3A_22 : memref<640x1xf32, #tpu.memory_space<vmem_shared>>) target(%dma_start3A_20 : memref<640x1xf32, #tpu.memory_space<hbm>>) target_semaphore(%run_scoped3A : memref<!tpu.dma_semaphore, #tpu.memory_space<semaphore_mem>>)
      %dma_wait3A = arith.constant 0 : i32
      %dma_wait3A_23 = tpu.memref_slice %arg5[%add3A_19, %dma_wait3A] : memref<20480x1xf32, #tpu.memory_space<hbm>> -> memref<640x1xf32, #tpu.memory_space<hbm>>
      %dma_wait3A_24 = arith.constant 0 : i32
      %dma_wait3A_25 = tpu.memref_slice %arg8[%mul3A_14, %dma_wait3A_24] : memref<10240x1xf32, #tpu.memory_space<vmem_shared>> -> memref<640x1xf32, #tpu.memory_space<vmem_shared>>
      tpu.wait_dma2 semaphore(%run_scoped3A : memref<!tpu.dma_semaphore, #tpu.memory_space<semaphore_mem>>) src(%dma_wait3A_25 : memref<640x1xf32, #tpu.memory_space<vmem_shared>>) dst(%dma_wait3A_23 : memref<640x1xf32, #tpu.memory_space<hbm>>)
      tpu.yield
    }) : () -> ()
    return
  }
}

#map = affine_map<(d0, d1) -> (0, 0)>
module attributes {stable_mosaic.version = 14 : i64} {
  func.func @agg_kernel(%arg0: i32, %arg1: i32, %arg2: memref<10240x16xf32, #tpu.memory_space<hbm>>, %arg3: memref<2560x128xi32, #tpu.memory_space<hbm>>, %arg4: memref<2560x128xi32, #tpu.memory_space<hbm>>, %arg5: memref<10240x16xf32, #tpu.memory_space<hbm>>, %arg6: memref<20480x16xf32, #tpu.memory_space<hbm>>, %arg7: memref<80x128xi32, #tpu.memory_space<vmem>>, %arg8: memref<80x128xi32, #tpu.memory_space<vmem>>, %arg9: memref<128x16xf32, #tpu.memory_space<vmem>>, %arg10: memref<128x16xf32, #tpu.memory_space<vmem>>, %arg11: memref<128x16xf32, #tpu.memory_space<vmem>>, %arg12: memref<128x16xf32, #tpu.memory_space<vmem>>, %arg13: memref<128x16xf32, #tpu.memory_space<vmem>>, %arg14: memref<10240x16xf32, #tpu.memory_space<vmem_shared>>, %arg15: memref<!tpu.dma_semaphore, #tpu.memory_space<semaphore_mem>>, %arg16: memref<!tpu.dma_semaphore, #tpu.memory_space<semaphore_mem>>, %arg17: memref<!tpu.dma_semaphore, #tpu.memory_space<semaphore_mem>>, %arg18: memref<!tpu.dma_semaphore, #tpu.memory_space<semaphore_mem>>, %arg19: memref<!tpu.dma_semaphore, #tpu.memory_space<semaphore_mem>>) attributes {dimension_semantics = [#tpu.dimension_semantics<core_parallel>, #tpu.dimension_semantics<subcore_parallel>], iteration_bounds = array<i64: 2, 16>, scalar_prefetch = 0 : i64, scratch_operands = 13 : i64, tpu.core_type = #tpu.core_type<sc_vector_subcore>, window_params = [{transform_indices = #map}, {transform_indices = #map}, {transform_indices = #map}, {transform_indices = #map}, {transform_indices = #map}]} {
    %mul3A = arith.constant 16 : i32
    %mul3A_0 = arith.muli %arg0, %mul3A : i32
    %add3A = arith.addi %mul3A_0, %arg1 : i32
    %mul3A_1 = arith.constant 80 : i32
    %mul3A_2 = arith.muli %add3A, %mul3A_1 : i32
    "tpu.region"() ({
      %run_scoped3A_94 = tpu.sem_alloc : memref<!tpu.dma_semaphore, #tpu.memory_space<semaphore_mem>>
      %dma_start3A_95 = arith.constant 0 : i32
      %dma_start3A_96 = tpu.memref_slice %arg3[%mul3A_2, %dma_start3A_95] : memref<2560x128xi32, #tpu.memory_space<hbm>> -> memref<80x128xi32, #tpu.memory_space<hbm>>
      %dma_start3A_97 = arith.constant 0 : i32
      %dma_start3A_98 = tpu.memref_slice %arg3[%mul3A_2, %dma_start3A_97] : memref<2560x128xi32, #tpu.memory_space<hbm>> -> memref<80x128xi32, #tpu.memory_space<hbm>>
      tpu.enqueue_dma source(%dma_start3A_98 : memref<80x128xi32, #tpu.memory_space<hbm>>) target(%arg7 : memref<80x128xi32, #tpu.memory_space<vmem>>) target_semaphore(%run_scoped3A_94 : memref<!tpu.dma_semaphore, #tpu.memory_space<semaphore_mem>>)
      %dma_wait3A_99 = arith.constant 0 : i32
      %dma_wait3A_100 = tpu.memref_slice %arg3[%mul3A_2, %dma_wait3A_99] : memref<2560x128xi32, #tpu.memory_space<hbm>> -> memref<80x128xi32, #tpu.memory_space<hbm>>
      %dma_wait3A_101 = arith.constant 0 : i32
      %dma_wait3A_102 = tpu.memref_slice %arg3[%mul3A_2, %dma_wait3A_101] : memref<2560x128xi32, #tpu.memory_space<hbm>> -> memref<80x128xi32, #tpu.memory_space<hbm>>
      tpu.wait_dma2 semaphore(%run_scoped3A_94 : memref<!tpu.dma_semaphore, #tpu.memory_space<semaphore_mem>>) src(%dma_wait3A_102 : memref<80x128xi32, #tpu.memory_space<hbm>>) dst(%arg7 : memref<80x128xi32, #tpu.memory_space<vmem>>)
      tpu.yield
    }) : () -> ()
    %mul3A_3 = arith.constant 80 : i32
    %mul3A_4 = arith.muli %add3A, %mul3A_3 : i32
    "tpu.region"() ({
      %run_scoped3A_94 = tpu.sem_alloc : memref<!tpu.dma_semaphore, #tpu.memory_space<semaphore_mem>>
      %dma_start3A_95 = arith.constant 0 : i32
      %dma_start3A_96 = tpu.memref_slice %arg4[%mul3A_4, %dma_start3A_95] : memref<2560x128xi32, #tpu.memory_space<hbm>> -> memref<80x128xi32, #tpu.memory_space<hbm>>
      %dma_start3A_97 = arith.constant 0 : i32
      %dma_start3A_98 = tpu.memref_slice %arg4[%mul3A_4, %dma_start3A_97] : memref<2560x128xi32, #tpu.memory_space<hbm>> -> memref<80x128xi32, #tpu.memory_space<hbm>>
      tpu.enqueue_dma source(%dma_start3A_98 : memref<80x128xi32, #tpu.memory_space<hbm>>) target(%arg8 : memref<80x128xi32, #tpu.memory_space<vmem>>) target_semaphore(%run_scoped3A_94 : memref<!tpu.dma_semaphore, #tpu.memory_space<semaphore_mem>>)
      %dma_wait3A_99 = arith.constant 0 : i32
      %dma_wait3A_100 = tpu.memref_slice %arg4[%mul3A_4, %dma_wait3A_99] : memref<2560x128xi32, #tpu.memory_space<hbm>> -> memref<80x128xi32, #tpu.memory_space<hbm>>
      %dma_wait3A_101 = arith.constant 0 : i32
      %dma_wait3A_102 = tpu.memref_slice %arg4[%mul3A_4, %dma_wait3A_101] : memref<2560x128xi32, #tpu.memory_space<hbm>> -> memref<80x128xi32, #tpu.memory_space<hbm>>
      tpu.wait_dma2 semaphore(%run_scoped3A_94 : memref<!tpu.dma_semaphore, #tpu.memory_space<semaphore_mem>>) src(%dma_wait3A_102 : memref<80x128xi32, #tpu.memory_space<hbm>>) dst(%arg8 : memref<80x128xi32, #tpu.memory_space<vmem>>)
      tpu.yield
    }) : () -> ()
    %mul3A_5 = arith.constant 640 : i32
    %mul3A_6 = arith.muli %arg1, %mul3A_5 : i32
    %mul3A_7 = arith.constant 640 : i32
    %mul3A_8 = arith.muli %arg1, %mul3A_7 : i32
    "tpu.region"() ({
      %run_scoped3A_94 = tpu.sem_alloc : memref<!tpu.dma_semaphore, #tpu.memory_space<semaphore_mem>>
      %dma_start3A_95 = arith.constant 0 : i32
      %dma_start3A_96 = tpu.memref_slice %arg14[%mul3A_8, %dma_start3A_95] : memref<10240x16xf32, #tpu.memory_space<vmem_shared>> -> memref<640x16xf32, #tpu.memory_space<vmem_shared>>
      %dma_start3A_97 = arith.constant 0 : i32
      %dma_start3A_98 = tpu.memref_slice %arg5[%mul3A_6, %dma_start3A_97] : memref<10240x16xf32, #tpu.memory_space<hbm>> -> memref<640x16xf32, #tpu.memory_space<hbm>>
      tpu.enqueue_dma source(%dma_start3A_98 : memref<640x16xf32, #tpu.memory_space<hbm>>) target(%dma_start3A_96 : memref<640x16xf32, #tpu.memory_space<vmem_shared>>) target_semaphore(%run_scoped3A_94 : memref<!tpu.dma_semaphore, #tpu.memory_space<semaphore_mem>>)
      %dma_wait3A_99 = arith.constant 0 : i32
      %dma_wait3A_100 = tpu.memref_slice %arg14[%mul3A_8, %dma_wait3A_99] : memref<10240x16xf32, #tpu.memory_space<vmem_shared>> -> memref<640x16xf32, #tpu.memory_space<vmem_shared>>
      %dma_wait3A_101 = arith.constant 0 : i32
      %dma_wait3A_102 = tpu.memref_slice %arg5[%mul3A_6, %dma_wait3A_101] : memref<10240x16xf32, #tpu.memory_space<hbm>> -> memref<640x16xf32, #tpu.memory_space<hbm>>
      tpu.wait_dma2 semaphore(%run_scoped3A_94 : memref<!tpu.dma_semaphore, #tpu.memory_space<semaphore_mem>>) src(%dma_wait3A_102 : memref<640x16xf32, #tpu.memory_space<hbm>>) dst(%dma_wait3A_100 : memref<640x16xf32, #tpu.memory_space<vmem_shared>>)
      tpu.yield
    }) : () -> ()
    %barrier3A = arith.constant 0 : index
    tpu.barrier barrier_id(%barrier3A)
    %dma_start3A = arith.constant 0 : i32
    %dma_start3A_9 = arith.constant 0 : i32
    %dma_start3A_10 = tpu.memref_slice %arg7[%dma_start3A, %dma_start3A_9] : memref<80x128xi32, #tpu.memory_space<vmem>> -> memref<1x128xi32, #tpu.memory_space<vmem>>
    %dma_start3A_11 = tpu.memref_squeeze %dma_start3A_10 : memref<1x128xi32, #tpu.memory_space<vmem>> -> memref<128xi32, #tpu.memory_space<vmem>>
    %dma_start3A_12 = arith.constant 0 : i32
    %dma_start3A_13 = arith.constant 0 : i32
    %dma_start3A_14 = tpu.memref_slice %arg2[%dma_start3A_12, %dma_start3A_13] : memref<10240x16xf32, #tpu.memory_space<hbm>> -> memref<10240x16xf32, #tpu.memory_space<hbm>>
    tpu.enqueue_indirect_dma source(%dma_start3A_14 : memref<10240x16xf32, #tpu.memory_space<hbm>>) target(%arg9 : memref<128x16xf32, #tpu.memory_space<vmem>>) offsets(%dma_start3A_11 : memref<128xi32, #tpu.memory_space<vmem>>) semaphore(%arg15 : memref<!tpu.dma_semaphore, #tpu.memory_space<semaphore_mem>>)
    %dma_start3A_15 = arith.constant 1 : i32
    %dma_start3A_16 = arith.constant 0 : i32
    %dma_start3A_17 = tpu.memref_slice %arg7[%dma_start3A_15, %dma_start3A_16] : memref<80x128xi32, #tpu.memory_space<vmem>> -> memref<1x128xi32, #tpu.memory_space<vmem>>
    %dma_start3A_18 = tpu.memref_squeeze %dma_start3A_17 : memref<1x128xi32, #tpu.memory_space<vmem>> -> memref<128xi32, #tpu.memory_space<vmem>>
    %dma_start3A_19 = arith.constant 0 : i32
    %dma_start3A_20 = arith.constant 0 : i32
    %dma_start3A_21 = tpu.memref_slice %arg2[%dma_start3A_19, %dma_start3A_20] : memref<10240x16xf32, #tpu.memory_space<hbm>> -> memref<10240x16xf32, #tpu.memory_space<hbm>>
    tpu.enqueue_indirect_dma source(%dma_start3A_21 : memref<10240x16xf32, #tpu.memory_space<hbm>>) target(%arg10 : memref<128x16xf32, #tpu.memory_space<vmem>>) offsets(%dma_start3A_18 : memref<128xi32, #tpu.memory_space<vmem>>) semaphore(%arg16 : memref<!tpu.dma_semaphore, #tpu.memory_space<semaphore_mem>>)
    %dma_start3A_22 = arith.constant 2 : i32
    %dma_start3A_23 = arith.constant 0 : i32
    %dma_start3A_24 = tpu.memref_slice %arg7[%dma_start3A_22, %dma_start3A_23] : memref<80x128xi32, #tpu.memory_space<vmem>> -> memref<1x128xi32, #tpu.memory_space<vmem>>
    %dma_start3A_25 = tpu.memref_squeeze %dma_start3A_24 : memref<1x128xi32, #tpu.memory_space<vmem>> -> memref<128xi32, #tpu.memory_space<vmem>>
    %dma_start3A_26 = arith.constant 0 : i32
    %dma_start3A_27 = arith.constant 0 : i32
    %dma_start3A_28 = tpu.memref_slice %arg2[%dma_start3A_26, %dma_start3A_27] : memref<10240x16xf32, #tpu.memory_space<hbm>> -> memref<10240x16xf32, #tpu.memory_space<hbm>>
    tpu.enqueue_indirect_dma source(%dma_start3A_28 : memref<10240x16xf32, #tpu.memory_space<hbm>>) target(%arg11 : memref<128x16xf32, #tpu.memory_space<vmem>>) offsets(%dma_start3A_25 : memref<128xi32, #tpu.memory_space<vmem>>) semaphore(%arg17 : memref<!tpu.dma_semaphore, #tpu.memory_space<semaphore_mem>>)
    %dma_start3A_29 = arith.constant 3 : i32
    %dma_start3A_30 = arith.constant 0 : i32
    %dma_start3A_31 = tpu.memref_slice %arg7[%dma_start3A_29, %dma_start3A_30] : memref<80x128xi32, #tpu.memory_space<vmem>> -> memref<1x128xi32, #tpu.memory_space<vmem>>
    %dma_start3A_32 = tpu.memref_squeeze %dma_start3A_31 : memref<1x128xi32, #tpu.memory_space<vmem>> -> memref<128xi32, #tpu.memory_space<vmem>>
    %dma_start3A_33 = arith.constant 0 : i32
    %dma_start3A_34 = arith.constant 0 : i32
    %dma_start3A_35 = tpu.memref_slice %arg2[%dma_start3A_33, %dma_start3A_34] : memref<10240x16xf32, #tpu.memory_space<hbm>> -> memref<10240x16xf32, #tpu.memory_space<hbm>>
    tpu.enqueue_indirect_dma source(%dma_start3A_35 : memref<10240x16xf32, #tpu.memory_space<hbm>>) target(%arg12 : memref<128x16xf32, #tpu.memory_space<vmem>>) offsets(%dma_start3A_32 : memref<128xi32, #tpu.memory_space<vmem>>) semaphore(%arg18 : memref<!tpu.dma_semaphore, #tpu.memory_space<semaphore_mem>>)
    %dma_start3A_36 = arith.constant 4 : i32
    %dma_start3A_37 = arith.constant 0 : i32
    %dma_start3A_38 = tpu.memref_slice %arg7[%dma_start3A_36, %dma_start3A_37] : memref<80x128xi32, #tpu.memory_space<vmem>> -> memref<1x128xi32, #tpu.memory_space<vmem>>
    %dma_start3A_39 = tpu.memref_squeeze %dma_start3A_38 : memref<1x128xi32, #tpu.memory_space<vmem>> -> memref<128xi32, #tpu.memory_space<vmem>>
    %dma_start3A_40 = arith.constant 0 : i32
    %dma_start3A_41 = arith.constant 0 : i32
    %dma_start3A_42 = tpu.memref_slice %arg2[%dma_start3A_40, %dma_start3A_41] : memref<10240x16xf32, #tpu.memory_space<hbm>> -> memref<10240x16xf32, #tpu.memory_space<hbm>>
    tpu.enqueue_indirect_dma source(%dma_start3A_42 : memref<10240x16xf32, #tpu.memory_space<hbm>>) target(%arg13 : memref<128x16xf32, #tpu.memory_space<vmem>>) offsets(%dma_start3A_39 : memref<128xi32, #tpu.memory_space<vmem>>) semaphore(%arg19 : memref<!tpu.dma_semaphore, #tpu.memory_space<semaphore_mem>>)
    %scan3A = arith.constant 0 : i32
    %scan3A_43 = arith.constant 0 : i32
    %scan3A_44 = arith.constant 15 : i32
    %scan3A_45 = arith.addi %scan3A_43, %scan3A_44 : i32
    %scan3A_46 = arith.constant 1 : i32
    scf.for %scan3A_94 = %scan3A_43 to %scan3A_45 step %scan3A_46  : i32 {
      %mul3A_95 = arith.constant 5 : i32
      %mul3A_96 = arith.muli %scan3A_94, %mul3A_95 : i32
      %add3A_97 = arith.constant 0 : i32
      %add3A_98 = arith.addi %mul3A_96, %add3A_97 : i32
      %dma_wait3A_99 = arith.constant 0 : i32
      %dma_wait3A_100 = tpu.memref_slice %arg7[%add3A_98, %dma_wait3A_99] : memref<80x128xi32, #tpu.memory_space<vmem>> -> memref<1x128xi32, #tpu.memory_space<vmem>>
      %dma_wait3A_101 = tpu.memref_squeeze %dma_wait3A_100 : memref<1x128xi32, #tpu.memory_space<vmem>> -> memref<128xi32, #tpu.memory_space<vmem>>
      %dma_wait3A_102 = arith.constant 0 : i32
      %dma_wait3A_103 = arith.constant 0 : i32
      %dma_wait3A_104 = tpu.memref_slice %arg2[%dma_wait3A_102, %dma_wait3A_103] : memref<10240x16xf32, #tpu.memory_space<hbm>> -> memref<10240x16xf32, #tpu.memory_space<hbm>>
      tpu.wait_indirect_dma semaphore(%arg15 : memref<!tpu.dma_semaphore, #tpu.memory_space<semaphore_mem>>) src(%dma_wait3A_104 : memref<10240x16xf32, #tpu.memory_space<hbm>>) dst(%arg9 : memref<128x16xf32, #tpu.memory_space<vmem>>)
      "tpu.region"() ({
        %run_scoped3A_177 = tpu.sem_alloc : memref<!tpu.dma_semaphore, #tpu.memory_space<semaphore_mem>>
        %dma_start3A_178 = arith.constant 0 : i32
        %dma_start3A_179 = tpu.memref_slice %arg8[%add3A_98, %dma_start3A_178] : memref<80x128xi32, #tpu.memory_space<vmem>> -> memref<1x128xi32, #tpu.memory_space<vmem>>
        %dma_start3A_180 = tpu.memref_squeeze %dma_start3A_179 : memref<1x128xi32, #tpu.memory_space<vmem>> -> memref<128xi32, #tpu.memory_space<vmem>>
        %dma_start3A_181 = arith.constant 0 : i32
        %dma_start3A_182 = arith.constant 0 : i32
        %dma_start3A_183 = tpu.memref_slice %arg14[%dma_start3A_181, %dma_start3A_182] : memref<10240x16xf32, #tpu.memory_space<vmem_shared>> -> memref<10240x16xf32, #tpu.memory_space<vmem_shared>>
        tpu.enqueue_indirect_dma source(%arg9 : memref<128x16xf32, #tpu.memory_space<vmem>>) target(%dma_start3A_183 : memref<10240x16xf32, #tpu.memory_space<vmem_shared>>) offsets(%dma_start3A_180 : memref<128xi32, #tpu.memory_space<vmem>>) semaphore(%run_scoped3A_177 : memref<!tpu.dma_semaphore, #tpu.memory_space<semaphore_mem>>) {add = true}
        %dma_wait3A_184 = arith.constant 0 : i32
        %dma_wait3A_185 = tpu.memref_slice %arg8[%add3A_98, %dma_wait3A_184] : memref<80x128xi32, #tpu.memory_space<vmem>> -> memref<1x128xi32, #tpu.memory_space<vmem>>
        %dma_wait3A_186 = tpu.memref_squeeze %dma_wait3A_185 : memref<1x128xi32, #tpu.memory_space<vmem>> -> memref<128xi32, #tpu.memory_space<vmem>>
        %dma_wait3A_187 = arith.constant 0 : i32
        %dma_wait3A_188 = arith.constant 0 : i32
        %dma_wait3A_189 = tpu.memref_slice %arg14[%dma_wait3A_187, %dma_wait3A_188] : memref<10240x16xf32, #tpu.memory_space<vmem_shared>> -> memref<10240x16xf32, #tpu.memory_space<vmem_shared>>
        tpu.wait_indirect_dma semaphore(%run_scoped3A_177 : memref<!tpu.dma_semaphore, #tpu.memory_space<semaphore_mem>>) src(%arg9 : memref<128x16xf32, #tpu.memory_space<vmem>>) dst(%dma_wait3A_189 : memref<10240x16xf32, #tpu.memory_space<vmem_shared>>)
        tpu.yield
      }) : () -> ()
      %add3A_105 = arith.constant 5 : i32
      %add3A_106 = arith.addi %add3A_98, %add3A_105 : i32
      %dma_start3A_107 = arith.constant 0 : i32
      %dma_start3A_108 = tpu.memref_slice %arg7[%add3A_106, %dma_start3A_107] : memref<80x128xi32, #tpu.memory_space<vmem>> -> memref<1x128xi32, #tpu.memory_space<vmem>>
      %dma_start3A_109 = tpu.memref_squeeze %dma_start3A_108 : memref<1x128xi32, #tpu.memory_space<vmem>> -> memref<128xi32, #tpu.memory_space<vmem>>
      %dma_start3A_110 = arith.constant 0 : i32
      %dma_start3A_111 = arith.constant 0 : i32
      %dma_start3A_112 = tpu.memref_slice %arg2[%dma_start3A_110, %dma_start3A_111] : memref<10240x16xf32, #tpu.memory_space<hbm>> -> memref<10240x16xf32, #tpu.memory_space<hbm>>
      tpu.enqueue_indirect_dma source(%dma_start3A_112 : memref<10240x16xf32, #tpu.memory_space<hbm>>) target(%arg9 : memref<128x16xf32, #tpu.memory_space<vmem>>) offsets(%dma_start3A_109 : memref<128xi32, #tpu.memory_space<vmem>>) semaphore(%arg15 : memref<!tpu.dma_semaphore, #tpu.memory_space<semaphore_mem>>)
      %add3A_113 = arith.constant 1 : i32
      %add3A_114 = arith.addi %mul3A_96, %add3A_113 : i32
      %dma_wait3A_115 = arith.constant 0 : i32
      %dma_wait3A_116 = tpu.memref_slice %arg7[%add3A_114, %dma_wait3A_115] : memref<80x128xi32, #tpu.memory_space<vmem>> -> memref<1x128xi32, #tpu.memory_space<vmem>>
      %dma_wait3A_117 = tpu.memref_squeeze %dma_wait3A_116 : memref<1x128xi32, #tpu.memory_space<vmem>> -> memref<128xi32, #tpu.memory_space<vmem>>
      %dma_wait3A_118 = arith.constant 0 : i32
      %dma_wait3A_119 = arith.constant 0 : i32
      %dma_wait3A_120 = tpu.memref_slice %arg2[%dma_wait3A_118, %dma_wait3A_119] : memref<10240x16xf32, #tpu.memory_space<hbm>> -> memref<10240x16xf32, #tpu.memory_space<hbm>>
      tpu.wait_indirect_dma semaphore(%arg16 : memref<!tpu.dma_semaphore, #tpu.memory_space<semaphore_mem>>) src(%dma_wait3A_120 : memref<10240x16xf32, #tpu.memory_space<hbm>>) dst(%arg10 : memref<128x16xf32, #tpu.memory_space<vmem>>)
      "tpu.region"() ({
        %run_scoped3A_177 = tpu.sem_alloc : memref<!tpu.dma_semaphore, #tpu.memory_space<semaphore_mem>>
        %dma_start3A_178 = arith.constant 0 : i32
        %dma_start3A_179 = tpu.memref_slice %arg8[%add3A_114, %dma_start3A_178] : memref<80x128xi32, #tpu.memory_space<vmem>> -> memref<1x128xi32, #tpu.memory_space<vmem>>
        %dma_start3A_180 = tpu.memref_squeeze %dma_start3A_179 : memref<1x128xi32, #tpu.memory_space<vmem>> -> memref<128xi32, #tpu.memory_space<vmem>>
        %dma_start3A_181 = arith.constant 0 : i32
        %dma_start3A_182 = arith.constant 0 : i32
        %dma_start3A_183 = tpu.memref_slice %arg14[%dma_start3A_181, %dma_start3A_182] : memref<10240x16xf32, #tpu.memory_space<vmem_shared>> -> memref<10240x16xf32, #tpu.memory_space<vmem_shared>>
        tpu.enqueue_indirect_dma source(%arg10 : memref<128x16xf32, #tpu.memory_space<vmem>>) target(%dma_start3A_183 : memref<10240x16xf32, #tpu.memory_space<vmem_shared>>) offsets(%dma_start3A_180 : memref<128xi32, #tpu.memory_space<vmem>>) semaphore(%run_scoped3A_177 : memref<!tpu.dma_semaphore, #tpu.memory_space<semaphore_mem>>) {add = true}
        %dma_wait3A_184 = arith.constant 0 : i32
        %dma_wait3A_185 = tpu.memref_slice %arg8[%add3A_114, %dma_wait3A_184] : memref<80x128xi32, #tpu.memory_space<vmem>> -> memref<1x128xi32, #tpu.memory_space<vmem>>
        %dma_wait3A_186 = tpu.memref_squeeze %dma_wait3A_185 : memref<1x128xi32, #tpu.memory_space<vmem>> -> memref<128xi32, #tpu.memory_space<vmem>>
        %dma_wait3A_187 = arith.constant 0 : i32
        %dma_wait3A_188 = arith.constant 0 : i32
        %dma_wait3A_189 = tpu.memref_slice %arg14[%dma_wait3A_187, %dma_wait3A_188] : memref<10240x16xf32, #tpu.memory_space<vmem_shared>> -> memref<10240x16xf32, #tpu.memory_space<vmem_shared>>
        tpu.wait_indirect_dma semaphore(%run_scoped3A_177 : memref<!tpu.dma_semaphore, #tpu.memory_space<semaphore_mem>>) src(%arg10 : memref<128x16xf32, #tpu.memory_space<vmem>>) dst(%dma_wait3A_189 : memref<10240x16xf32, #tpu.memory_space<vmem_shared>>)
        tpu.yield
      }) : () -> ()
      %add3A_121 = arith.constant 5 : i32
      %add3A_122 = arith.addi %add3A_114, %add3A_121 : i32
      %dma_start3A_123 = arith.constant 0 : i32
      %dma_start3A_124 = tpu.memref_slice %arg7[%add3A_122, %dma_start3A_123] : memref<80x128xi32, #tpu.memory_space<vmem>> -> memref<1x128xi32, #tpu.memory_space<vmem>>
      %dma_start3A_125 = tpu.memref_squeeze %dma_start3A_124 : memref<1x128xi32, #tpu.memory_space<vmem>> -> memref<128xi32, #tpu.memory_space<vmem>>
      %dma_start3A_126 = arith.constant 0 : i32
      %dma_start3A_127 = arith.constant 0 : i32
      %dma_start3A_128 = tpu.memref_slice %arg2[%dma_start3A_126, %dma_start3A_127] : memref<10240x16xf32, #tpu.memory_space<hbm>> -> memref<10240x16xf32, #tpu.memory_space<hbm>>
      tpu.enqueue_indirect_dma source(%dma_start3A_128 : memref<10240x16xf32, #tpu.memory_space<hbm>>) target(%arg10 : memref<128x16xf32, #tpu.memory_space<vmem>>) offsets(%dma_start3A_125 : memref<128xi32, #tpu.memory_space<vmem>>) semaphore(%arg16 : memref<!tpu.dma_semaphore, #tpu.memory_space<semaphore_mem>>)
      %add3A_129 = arith.constant 2 : i32
      %add3A_130 = arith.addi %mul3A_96, %add3A_129 : i32
      %dma_wait3A_131 = arith.constant 0 : i32
      %dma_wait3A_132 = tpu.memref_slice %arg7[%add3A_130, %dma_wait3A_131] : memref<80x128xi32, #tpu.memory_space<vmem>> -> memref<1x128xi32, #tpu.memory_space<vmem>>
      %dma_wait3A_133 = tpu.memref_squeeze %dma_wait3A_132 : memref<1x128xi32, #tpu.memory_space<vmem>> -> memref<128xi32, #tpu.memory_space<vmem>>
      %dma_wait3A_134 = arith.constant 0 : i32
      %dma_wait3A_135 = arith.constant 0 : i32
      %dma_wait3A_136 = tpu.memref_slice %arg2[%dma_wait3A_134, %dma_wait3A_135] : memref<10240x16xf32, #tpu.memory_space<hbm>> -> memref<10240x16xf32, #tpu.memory_space<hbm>>
      tpu.wait_indirect_dma semaphore(%arg17 : memref<!tpu.dma_semaphore, #tpu.memory_space<semaphore_mem>>) src(%dma_wait3A_136 : memref<10240x16xf32, #tpu.memory_space<hbm>>) dst(%arg11 : memref<128x16xf32, #tpu.memory_space<vmem>>)
      "tpu.region"() ({
        %run_scoped3A_177 = tpu.sem_alloc : memref<!tpu.dma_semaphore, #tpu.memory_space<semaphore_mem>>
        %dma_start3A_178 = arith.constant 0 : i32
        %dma_start3A_179 = tpu.memref_slice %arg8[%add3A_130, %dma_start3A_178] : memref<80x128xi32, #tpu.memory_space<vmem>> -> memref<1x128xi32, #tpu.memory_space<vmem>>
        %dma_start3A_180 = tpu.memref_squeeze %dma_start3A_179 : memref<1x128xi32, #tpu.memory_space<vmem>> -> memref<128xi32, #tpu.memory_space<vmem>>
        %dma_start3A_181 = arith.constant 0 : i32
        %dma_start3A_182 = arith.constant 0 : i32
        %dma_start3A_183 = tpu.memref_slice %arg14[%dma_start3A_181, %dma_start3A_182] : memref<10240x16xf32, #tpu.memory_space<vmem_shared>> -> memref<10240x16xf32, #tpu.memory_space<vmem_shared>>
        tpu.enqueue_indirect_dma source(%arg11 : memref<128x16xf32, #tpu.memory_space<vmem>>) target(%dma_start3A_183 : memref<10240x16xf32, #tpu.memory_space<vmem_shared>>) offsets(%dma_start3A_180 : memref<128xi32, #tpu.memory_space<vmem>>) semaphore(%run_scoped3A_177 : memref<!tpu.dma_semaphore, #tpu.memory_space<semaphore_mem>>) {add = true}
        %dma_wait3A_184 = arith.constant 0 : i32
        %dma_wait3A_185 = tpu.memref_slice %arg8[%add3A_130, %dma_wait3A_184] : memref<80x128xi32, #tpu.memory_space<vmem>> -> memref<1x128xi32, #tpu.memory_space<vmem>>
        %dma_wait3A_186 = tpu.memref_squeeze %dma_wait3A_185 : memref<1x128xi32, #tpu.memory_space<vmem>> -> memref<128xi32, #tpu.memory_space<vmem>>
        %dma_wait3A_187 = arith.constant 0 : i32
        %dma_wait3A_188 = arith.constant 0 : i32
        %dma_wait3A_189 = tpu.memref_slice %arg14[%dma_wait3A_187, %dma_wait3A_188] : memref<10240x16xf32, #tpu.memory_space<vmem_shared>> -> memref<10240x16xf32, #tpu.memory_space<vmem_shared>>
        tpu.wait_indirect_dma semaphore(%run_scoped3A_177 : memref<!tpu.dma_semaphore, #tpu.memory_space<semaphore_mem>>) src(%arg11 : memref<128x16xf32, #tpu.memory_space<vmem>>) dst(%dma_wait3A_189 : memref<10240x16xf32, #tpu.memory_space<vmem_shared>>)
        tpu.yield
      }) : () -> ()
      %add3A_137 = arith.constant 5 : i32
      %add3A_138 = arith.addi %add3A_130, %add3A_137 : i32
      %dma_start3A_139 = arith.constant 0 : i32
      %dma_start3A_140 = tpu.memref_slice %arg7[%add3A_138, %dma_start3A_139] : memref<80x128xi32, #tpu.memory_space<vmem>> -> memref<1x128xi32, #tpu.memory_space<vmem>>
      %dma_start3A_141 = tpu.memref_squeeze %dma_start3A_140 : memref<1x128xi32, #tpu.memory_space<vmem>> -> memref<128xi32, #tpu.memory_space<vmem>>
      %dma_start3A_142 = arith.constant 0 : i32
      %dma_start3A_143 = arith.constant 0 : i32
      %dma_start3A_144 = tpu.memref_slice %arg2[%dma_start3A_142, %dma_start3A_143] : memref<10240x16xf32, #tpu.memory_space<hbm>> -> memref<10240x16xf32, #tpu.memory_space<hbm>>
      tpu.enqueue_indirect_dma source(%dma_start3A_144 : memref<10240x16xf32, #tpu.memory_space<hbm>>) target(%arg11 : memref<128x16xf32, #tpu.memory_space<vmem>>) offsets(%dma_start3A_141 : memref<128xi32, #tpu.memory_space<vmem>>) semaphore(%arg17 : memref<!tpu.dma_semaphore, #tpu.memory_space<semaphore_mem>>)
      %add3A_145 = arith.constant 3 : i32
      %add3A_146 = arith.addi %mul3A_96, %add3A_145 : i32
      %dma_wait3A_147 = arith.constant 0 : i32
      %dma_wait3A_148 = tpu.memref_slice %arg7[%add3A_146, %dma_wait3A_147] : memref<80x128xi32, #tpu.memory_space<vmem>> -> memref<1x128xi32, #tpu.memory_space<vmem>>
      %dma_wait3A_149 = tpu.memref_squeeze %dma_wait3A_148 : memref<1x128xi32, #tpu.memory_space<vmem>> -> memref<128xi32, #tpu.memory_space<vmem>>
      %dma_wait3A_150 = arith.constant 0 : i32
      %dma_wait3A_151 = arith.constant 0 : i32
      %dma_wait3A_152 = tpu.memref_slice %arg2[%dma_wait3A_150, %dma_wait3A_151] : memref<10240x16xf32, #tpu.memory_space<hbm>> -> memref<10240x16xf32, #tpu.memory_space<hbm>>
      tpu.wait_indirect_dma semaphore(%arg18 : memref<!tpu.dma_semaphore, #tpu.memory_space<semaphore_mem>>) src(%dma_wait3A_152 : memref<10240x16xf32, #tpu.memory_space<hbm>>) dst(%arg12 : memref<128x16xf32, #tpu.memory_space<vmem>>)
      "tpu.region"() ({
        %run_scoped3A_177 = tpu.sem_alloc : memref<!tpu.dma_semaphore, #tpu.memory_space<semaphore_mem>>
        %dma_start3A_178 = arith.constant 0 : i32
        %dma_start3A_179 = tpu.memref_slice %arg8[%add3A_146, %dma_start3A_178] : memref<80x128xi32, #tpu.memory_space<vmem>> -> memref<1x128xi32, #tpu.memory_space<vmem>>
        %dma_start3A_180 = tpu.memref_squeeze %dma_start3A_179 : memref<1x128xi32, #tpu.memory_space<vmem>> -> memref<128xi32, #tpu.memory_space<vmem>>
        %dma_start3A_181 = arith.constant 0 : i32
        %dma_start3A_182 = arith.constant 0 : i32
        %dma_start3A_183 = tpu.memref_slice %arg14[%dma_start3A_181, %dma_start3A_182] : memref<10240x16xf32, #tpu.memory_space<vmem_shared>> -> memref<10240x16xf32, #tpu.memory_space<vmem_shared>>
        tpu.enqueue_indirect_dma source(%arg12 : memref<128x16xf32, #tpu.memory_space<vmem>>) target(%dma_start3A_183 : memref<10240x16xf32, #tpu.memory_space<vmem_shared>>) offsets(%dma_start3A_180 : memref<128xi32, #tpu.memory_space<vmem>>) semaphore(%run_scoped3A_177 : memref<!tpu.dma_semaphore, #tpu.memory_space<semaphore_mem>>) {add = true}
        %dma_wait3A_184 = arith.constant 0 : i32
        %dma_wait3A_185 = tpu.memref_slice %arg8[%add3A_146, %dma_wait3A_184] : memref<80x128xi32, #tpu.memory_space<vmem>> -> memref<1x128xi32, #tpu.memory_space<vmem>>
        %dma_wait3A_186 = tpu.memref_squeeze %dma_wait3A_185 : memref<1x128xi32, #tpu.memory_space<vmem>> -> memref<128xi32, #tpu.memory_space<vmem>>
        %dma_wait3A_187 = arith.constant 0 : i32
        %dma_wait3A_188 = arith.constant 0 : i32
        %dma_wait3A_189 = tpu.memref_slice %arg14[%dma_wait3A_187, %dma_wait3A_188] : memref<10240x16xf32, #tpu.memory_space<vmem_shared>> -> memref<10240x16xf32, #tpu.memory_space<vmem_shared>>
        tpu.wait_indirect_dma semaphore(%run_scoped3A_177 : memref<!tpu.dma_semaphore, #tpu.memory_space<semaphore_mem>>) src(%arg12 : memref<128x16xf32, #tpu.memory_space<vmem>>) dst(%dma_wait3A_189 : memref<10240x16xf32, #tpu.memory_space<vmem_shared>>)
        tpu.yield
      }) : () -> ()
      %add3A_153 = arith.constant 5 : i32
      %add3A_154 = arith.addi %add3A_146, %add3A_153 : i32
      %dma_start3A_155 = arith.constant 0 : i32
      %dma_start3A_156 = tpu.memref_slice %arg7[%add3A_154, %dma_start3A_155] : memref<80x128xi32, #tpu.memory_space<vmem>> -> memref<1x128xi32, #tpu.memory_space<vmem>>
      %dma_start3A_157 = tpu.memref_squeeze %dma_start3A_156 : memref<1x128xi32, #tpu.memory_space<vmem>> -> memref<128xi32, #tpu.memory_space<vmem>>
      %dma_start3A_158 = arith.constant 0 : i32
      %dma_start3A_159 = arith.constant 0 : i32
      %dma_start3A_160 = tpu.memref_slice %arg2[%dma_start3A_158, %dma_start3A_159] : memref<10240x16xf32, #tpu.memory_space<hbm>> -> memref<10240x16xf32, #tpu.memory_space<hbm>>
      tpu.enqueue_indirect_dma source(%dma_start3A_160 : memref<10240x16xf32, #tpu.memory_space<hbm>>) target(%arg12 : memref<128x16xf32, #tpu.memory_space<vmem>>) offsets(%dma_start3A_157 : memref<128xi32, #tpu.memory_space<vmem>>) semaphore(%arg18 : memref<!tpu.dma_semaphore, #tpu.memory_space<semaphore_mem>>)
      %add3A_161 = arith.constant 4 : i32
      %add3A_162 = arith.addi %mul3A_96, %add3A_161 : i32
      %dma_wait3A_163 = arith.constant 0 : i32
      %dma_wait3A_164 = tpu.memref_slice %arg7[%add3A_162, %dma_wait3A_163] : memref<80x128xi32, #tpu.memory_space<vmem>> -> memref<1x128xi32, #tpu.memory_space<vmem>>
      %dma_wait3A_165 = tpu.memref_squeeze %dma_wait3A_164 : memref<1x128xi32, #tpu.memory_space<vmem>> -> memref<128xi32, #tpu.memory_space<vmem>>
      %dma_wait3A_166 = arith.constant 0 : i32
      %dma_wait3A_167 = arith.constant 0 : i32
      %dma_wait3A_168 = tpu.memref_slice %arg2[%dma_wait3A_166, %dma_wait3A_167] : memref<10240x16xf32, #tpu.memory_space<hbm>> -> memref<10240x16xf32, #tpu.memory_space<hbm>>
      tpu.wait_indirect_dma semaphore(%arg19 : memref<!tpu.dma_semaphore, #tpu.memory_space<semaphore_mem>>) src(%dma_wait3A_168 : memref<10240x16xf32, #tpu.memory_space<hbm>>) dst(%arg13 : memref<128x16xf32, #tpu.memory_space<vmem>>)
      "tpu.region"() ({
        %run_scoped3A_177 = tpu.sem_alloc : memref<!tpu.dma_semaphore, #tpu.memory_space<semaphore_mem>>
        %dma_start3A_178 = arith.constant 0 : i32
        %dma_start3A_179 = tpu.memref_slice %arg8[%add3A_162, %dma_start3A_178] : memref<80x128xi32, #tpu.memory_space<vmem>> -> memref<1x128xi32, #tpu.memory_space<vmem>>
        %dma_start3A_180 = tpu.memref_squeeze %dma_start3A_179 : memref<1x128xi32, #tpu.memory_space<vmem>> -> memref<128xi32, #tpu.memory_space<vmem>>
        %dma_start3A_181 = arith.constant 0 : i32
        %dma_start3A_182 = arith.constant 0 : i32
        %dma_start3A_183 = tpu.memref_slice %arg14[%dma_start3A_181, %dma_start3A_182] : memref<10240x16xf32, #tpu.memory_space<vmem_shared>> -> memref<10240x16xf32, #tpu.memory_space<vmem_shared>>
        tpu.enqueue_indirect_dma source(%arg13 : memref<128x16xf32, #tpu.memory_space<vmem>>) target(%dma_start3A_183 : memref<10240x16xf32, #tpu.memory_space<vmem_shared>>) offsets(%dma_start3A_180 : memref<128xi32, #tpu.memory_space<vmem>>) semaphore(%run_scoped3A_177 : memref<!tpu.dma_semaphore, #tpu.memory_space<semaphore_mem>>) {add = true}
        %dma_wait3A_184 = arith.constant 0 : i32
        %dma_wait3A_185 = tpu.memref_slice %arg8[%add3A_162, %dma_wait3A_184] : memref<80x128xi32, #tpu.memory_space<vmem>> -> memref<1x128xi32, #tpu.memory_space<vmem>>
        %dma_wait3A_186 = tpu.memref_squeeze %dma_wait3A_185 : memref<1x128xi32, #tpu.memory_space<vmem>> -> memref<128xi32, #tpu.memory_space<vmem>>
        %dma_wait3A_187 = arith.constant 0 : i32
        %dma_wait3A_188 = arith.constant 0 : i32
        %dma_wait3A_189 = tpu.memref_slice %arg14[%dma_wait3A_187, %dma_wait3A_188] : memref<10240x16xf32, #tpu.memory_space<vmem_shared>> -> memref<10240x16xf32, #tpu.memory_space<vmem_shared>>
        tpu.wait_indirect_dma semaphore(%run_scoped3A_177 : memref<!tpu.dma_semaphore, #tpu.memory_space<semaphore_mem>>) src(%arg13 : memref<128x16xf32, #tpu.memory_space<vmem>>) dst(%dma_wait3A_189 : memref<10240x16xf32, #tpu.memory_space<vmem_shared>>)
        tpu.yield
      }) : () -> ()
      %add3A_169 = arith.constant 5 : i32
      %add3A_170 = arith.addi %add3A_162, %add3A_169 : i32
      %dma_start3A_171 = arith.constant 0 : i32
      %dma_start3A_172 = tpu.memref_slice %arg7[%add3A_170, %dma_start3A_171] : memref<80x128xi32, #tpu.memory_space<vmem>> -> memref<1x128xi32, #tpu.memory_space<vmem>>
      %dma_start3A_173 = tpu.memref_squeeze %dma_start3A_172 : memref<1x128xi32, #tpu.memory_space<vmem>> -> memref<128xi32, #tpu.memory_space<vmem>>
      %dma_start3A_174 = arith.constant 0 : i32
      %dma_start3A_175 = arith.constant 0 : i32
      %dma_start3A_176 = tpu.memref_slice %arg2[%dma_start3A_174, %dma_start3A_175] : memref<10240x16xf32, #tpu.memory_space<hbm>> -> memref<10240x16xf32, #tpu.memory_space<hbm>>
      tpu.enqueue_indirect_dma source(%dma_start3A_176 : memref<10240x16xf32, #tpu.memory_space<hbm>>) target(%arg13 : memref<128x16xf32, #tpu.memory_space<vmem>>) offsets(%dma_start3A_173 : memref<128xi32, #tpu.memory_space<vmem>>) semaphore(%arg19 : memref<!tpu.dma_semaphore, #tpu.memory_space<semaphore_mem>>)
    }
    %scan3A_47 = arith.constant 15 : i32
    %dma_wait3A = arith.constant 75 : i32
    %dma_wait3A_48 = arith.constant 0 : i32
    %dma_wait3A_49 = tpu.memref_slice %arg7[%dma_wait3A, %dma_wait3A_48] : memref<80x128xi32, #tpu.memory_space<vmem>> -> memref<1x128xi32, #tpu.memory_space<vmem>>
    %dma_wait3A_50 = tpu.memref_squeeze %dma_wait3A_49 : memref<1x128xi32, #tpu.memory_space<vmem>> -> memref<128xi32, #tpu.memory_space<vmem>>
    %dma_wait3A_51 = arith.constant 0 : i32
    %dma_wait3A_52 = arith.constant 0 : i32
    %dma_wait3A_53 = tpu.memref_slice %arg2[%dma_wait3A_51, %dma_wait3A_52] : memref<10240x16xf32, #tpu.memory_space<hbm>> -> memref<10240x16xf32, #tpu.memory_space<hbm>>
    tpu.wait_indirect_dma semaphore(%arg15 : memref<!tpu.dma_semaphore, #tpu.memory_space<semaphore_mem>>) src(%dma_wait3A_53 : memref<10240x16xf32, #tpu.memory_space<hbm>>) dst(%arg9 : memref<128x16xf32, #tpu.memory_space<vmem>>)
    %run_scoped3A = arith.constant 75 : i32
    "tpu.region"() ({
      %run_scoped3A_94 = tpu.sem_alloc : memref<!tpu.dma_semaphore, #tpu.memory_space<semaphore_mem>>
      %dma_start3A_95 = arith.constant 0 : i32
      %dma_start3A_96 = tpu.memref_slice %arg8[%run_scoped3A, %dma_start3A_95] : memref<80x128xi32, #tpu.memory_space<vmem>> -> memref<1x128xi32, #tpu.memory_space<vmem>>
      %dma_start3A_97 = tpu.memref_squeeze %dma_start3A_96 : memref<1x128xi32, #tpu.memory_space<vmem>> -> memref<128xi32, #tpu.memory_space<vmem>>
      %dma_start3A_98 = arith.constant 0 : i32
      %dma_start3A_99 = arith.constant 0 : i32
      %dma_start3A_100 = tpu.memref_slice %arg14[%dma_start3A_98, %dma_start3A_99] : memref<10240x16xf32, #tpu.memory_space<vmem_shared>> -> memref<10240x16xf32, #tpu.memory_space<vmem_shared>>
      tpu.enqueue_indirect_dma source(%arg9 : memref<128x16xf32, #tpu.memory_space<vmem>>) target(%dma_start3A_100 : memref<10240x16xf32, #tpu.memory_space<vmem_shared>>) offsets(%dma_start3A_97 : memref<128xi32, #tpu.memory_space<vmem>>) semaphore(%run_scoped3A_94 : memref<!tpu.dma_semaphore, #tpu.memory_space<semaphore_mem>>) {add = true}
      %dma_wait3A_101 = arith.constant 0 : i32
      %dma_wait3A_102 = tpu.memref_slice %arg8[%run_scoped3A, %dma_wait3A_101] : memref<80x128xi32, #tpu.memory_space<vmem>> -> memref<1x128xi32, #tpu.memory_space<vmem>>
      %dma_wait3A_103 = tpu.memref_squeeze %dma_wait3A_102 : memref<1x128xi32, #tpu.memory_space<vmem>> -> memref<128xi32, #tpu.memory_space<vmem>>
      %dma_wait3A_104 = arith.constant 0 : i32
      %dma_wait3A_105 = arith.constant 0 : i32
      %dma_wait3A_106 = tpu.memref_slice %arg14[%dma_wait3A_104, %dma_wait3A_105] : memref<10240x16xf32, #tpu.memory_space<vmem_shared>> -> memref<10240x16xf32, #tpu.memory_space<vmem_shared>>
      tpu.wait_indirect_dma semaphore(%run_scoped3A_94 : memref<!tpu.dma_semaphore, #tpu.memory_space<semaphore_mem>>) src(%arg9 : memref<128x16xf32, #tpu.memory_space<vmem>>) dst(%dma_wait3A_106 : memref<10240x16xf32, #tpu.memory_space<vmem_shared>>)
      tpu.yield
    }) : () -> ()
    %dma_wait3A_54 = arith.constant 76 : i32
    %dma_wait3A_55 = arith.constant 0 : i32
    %dma_wait3A_56 = tpu.memref_slice %arg7[%dma_wait3A_54, %dma_wait3A_55] : memref<80x128xi32, #tpu.memory_space<vmem>> -> memref<1x128xi32, #tpu.memory_space<vmem>>
    %dma_wait3A_57 = tpu.memref_squeeze %dma_wait3A_56 : memref<1x128xi32, #tpu.memory_space<vmem>> -> memref<128xi32, #tpu.memory_space<vmem>>
    %dma_wait3A_58 = arith.constant 0 : i32
    %dma_wait3A_59 = arith.constant 0 : i32
    %dma_wait3A_60 = tpu.memref_slice %arg2[%dma_wait3A_58, %dma_wait3A_59] : memref<10240x16xf32, #tpu.memory_space<hbm>> -> memref<10240x16xf32, #tpu.memory_space<hbm>>
    tpu.wait_indirect_dma semaphore(%arg16 : memref<!tpu.dma_semaphore, #tpu.memory_space<semaphore_mem>>) src(%dma_wait3A_60 : memref<10240x16xf32, #tpu.memory_space<hbm>>) dst(%arg10 : memref<128x16xf32, #tpu.memory_space<vmem>>)
    %run_scoped3A_61 = arith.constant 76 : i32
    "tpu.region"() ({
      %run_scoped3A_94 = tpu.sem_alloc : memref<!tpu.dma_semaphore, #tpu.memory_space<semaphore_mem>>
      %dma_start3A_95 = arith.constant 0 : i32
      %dma_start3A_96 = tpu.memref_slice %arg8[%run_scoped3A_61, %dma_start3A_95] : memref<80x128xi32, #tpu.memory_space<vmem>> -> memref<1x128xi32, #tpu.memory_space<vmem>>
      %dma_start3A_97 = tpu.memref_squeeze %dma_start3A_96 : memref<1x128xi32, #tpu.memory_space<vmem>> -> memref<128xi32, #tpu.memory_space<vmem>>
      %dma_start3A_98 = arith.constant 0 : i32
      %dma_start3A_99 = arith.constant 0 : i32
      %dma_start3A_100 = tpu.memref_slice %arg14[%dma_start3A_98, %dma_start3A_99] : memref<10240x16xf32, #tpu.memory_space<vmem_shared>> -> memref<10240x16xf32, #tpu.memory_space<vmem_shared>>
      tpu.enqueue_indirect_dma source(%arg10 : memref<128x16xf32, #tpu.memory_space<vmem>>) target(%dma_start3A_100 : memref<10240x16xf32, #tpu.memory_space<vmem_shared>>) offsets(%dma_start3A_97 : memref<128xi32, #tpu.memory_space<vmem>>) semaphore(%run_scoped3A_94 : memref<!tpu.dma_semaphore, #tpu.memory_space<semaphore_mem>>) {add = true}
      %dma_wait3A_101 = arith.constant 0 : i32
      %dma_wait3A_102 = tpu.memref_slice %arg8[%run_scoped3A_61, %dma_wait3A_101] : memref<80x128xi32, #tpu.memory_space<vmem>> -> memref<1x128xi32, #tpu.memory_space<vmem>>
      %dma_wait3A_103 = tpu.memref_squeeze %dma_wait3A_102 : memref<1x128xi32, #tpu.memory_space<vmem>> -> memref<128xi32, #tpu.memory_space<vmem>>
      %dma_wait3A_104 = arith.constant 0 : i32
      %dma_wait3A_105 = arith.constant 0 : i32
      %dma_wait3A_106 = tpu.memref_slice %arg14[%dma_wait3A_104, %dma_wait3A_105] : memref<10240x16xf32, #tpu.memory_space<vmem_shared>> -> memref<10240x16xf32, #tpu.memory_space<vmem_shared>>
      tpu.wait_indirect_dma semaphore(%run_scoped3A_94 : memref<!tpu.dma_semaphore, #tpu.memory_space<semaphore_mem>>) src(%arg10 : memref<128x16xf32, #tpu.memory_space<vmem>>) dst(%dma_wait3A_106 : memref<10240x16xf32, #tpu.memory_space<vmem_shared>>)
      tpu.yield
    }) : () -> ()
    %dma_wait3A_62 = arith.constant 77 : i32
    %dma_wait3A_63 = arith.constant 0 : i32
    %dma_wait3A_64 = tpu.memref_slice %arg7[%dma_wait3A_62, %dma_wait3A_63] : memref<80x128xi32, #tpu.memory_space<vmem>> -> memref<1x128xi32, #tpu.memory_space<vmem>>
    %dma_wait3A_65 = tpu.memref_squeeze %dma_wait3A_64 : memref<1x128xi32, #tpu.memory_space<vmem>> -> memref<128xi32, #tpu.memory_space<vmem>>
    %dma_wait3A_66 = arith.constant 0 : i32
    %dma_wait3A_67 = arith.constant 0 : i32
    %dma_wait3A_68 = tpu.memref_slice %arg2[%dma_wait3A_66, %dma_wait3A_67] : memref<10240x16xf32, #tpu.memory_space<hbm>> -> memref<10240x16xf32, #tpu.memory_space<hbm>>
    tpu.wait_indirect_dma semaphore(%arg17 : memref<!tpu.dma_semaphore, #tpu.memory_space<semaphore_mem>>) src(%dma_wait3A_68 : memref<10240x16xf32, #tpu.memory_space<hbm>>) dst(%arg11 : memref<128x16xf32, #tpu.memory_space<vmem>>)
    %run_scoped3A_69 = arith.constant 77 : i32
    "tpu.region"() ({
      %run_scoped3A_94 = tpu.sem_alloc : memref<!tpu.dma_semaphore, #tpu.memory_space<semaphore_mem>>
      %dma_start3A_95 = arith.constant 0 : i32
      %dma_start3A_96 = tpu.memref_slice %arg8[%run_scoped3A_69, %dma_start3A_95] : memref<80x128xi32, #tpu.memory_space<vmem>> -> memref<1x128xi32, #tpu.memory_space<vmem>>
      %dma_start3A_97 = tpu.memref_squeeze %dma_start3A_96 : memref<1x128xi32, #tpu.memory_space<vmem>> -> memref<128xi32, #tpu.memory_space<vmem>>
      %dma_start3A_98 = arith.constant 0 : i32
      %dma_start3A_99 = arith.constant 0 : i32
      %dma_start3A_100 = tpu.memref_slice %arg14[%dma_start3A_98, %dma_start3A_99] : memref<10240x16xf32, #tpu.memory_space<vmem_shared>> -> memref<10240x16xf32, #tpu.memory_space<vmem_shared>>
      tpu.enqueue_indirect_dma source(%arg11 : memref<128x16xf32, #tpu.memory_space<vmem>>) target(%dma_start3A_100 : memref<10240x16xf32, #tpu.memory_space<vmem_shared>>) offsets(%dma_start3A_97 : memref<128xi32, #tpu.memory_space<vmem>>) semaphore(%run_scoped3A_94 : memref<!tpu.dma_semaphore, #tpu.memory_space<semaphore_mem>>) {add = true}
      %dma_wait3A_101 = arith.constant 0 : i32
      %dma_wait3A_102 = tpu.memref_slice %arg8[%run_scoped3A_69, %dma_wait3A_101] : memref<80x128xi32, #tpu.memory_space<vmem>> -> memref<1x128xi32, #tpu.memory_space<vmem>>
      %dma_wait3A_103 = tpu.memref_squeeze %dma_wait3A_102 : memref<1x128xi32, #tpu.memory_space<vmem>> -> memref<128xi32, #tpu.memory_space<vmem>>
      %dma_wait3A_104 = arith.constant 0 : i32
      %dma_wait3A_105 = arith.constant 0 : i32
      %dma_wait3A_106 = tpu.memref_slice %arg14[%dma_wait3A_104, %dma_wait3A_105] : memref<10240x16xf32, #tpu.memory_space<vmem_shared>> -> memref<10240x16xf32, #tpu.memory_space<vmem_shared>>
      tpu.wait_indirect_dma semaphore(%run_scoped3A_94 : memref<!tpu.dma_semaphore, #tpu.memory_space<semaphore_mem>>) src(%arg11 : memref<128x16xf32, #tpu.memory_space<vmem>>) dst(%dma_wait3A_106 : memref<10240x16xf32, #tpu.memory_space<vmem_shared>>)
      tpu.yield
    }) : () -> ()
    %dma_wait3A_70 = arith.constant 78 : i32
    %dma_wait3A_71 = arith.constant 0 : i32
    %dma_wait3A_72 = tpu.memref_slice %arg7[%dma_wait3A_70, %dma_wait3A_71] : memref<80x128xi32, #tpu.memory_space<vmem>> -> memref<1x128xi32, #tpu.memory_space<vmem>>
    %dma_wait3A_73 = tpu.memref_squeeze %dma_wait3A_72 : memref<1x128xi32, #tpu.memory_space<vmem>> -> memref<128xi32, #tpu.memory_space<vmem>>
    %dma_wait3A_74 = arith.constant 0 : i32
    %dma_wait3A_75 = arith.constant 0 : i32
    %dma_wait3A_76 = tpu.memref_slice %arg2[%dma_wait3A_74, %dma_wait3A_75] : memref<10240x16xf32, #tpu.memory_space<hbm>> -> memref<10240x16xf32, #tpu.memory_space<hbm>>
    tpu.wait_indirect_dma semaphore(%arg18 : memref<!tpu.dma_semaphore, #tpu.memory_space<semaphore_mem>>) src(%dma_wait3A_76 : memref<10240x16xf32, #tpu.memory_space<hbm>>) dst(%arg12 : memref<128x16xf32, #tpu.memory_space<vmem>>)
    %run_scoped3A_77 = arith.constant 78 : i32
    "tpu.region"() ({
      %run_scoped3A_94 = tpu.sem_alloc : memref<!tpu.dma_semaphore, #tpu.memory_space<semaphore_mem>>
      %dma_start3A_95 = arith.constant 0 : i32
      %dma_start3A_96 = tpu.memref_slice %arg8[%run_scoped3A_77, %dma_start3A_95] : memref<80x128xi32, #tpu.memory_space<vmem>> -> memref<1x128xi32, #tpu.memory_space<vmem>>
      %dma_start3A_97 = tpu.memref_squeeze %dma_start3A_96 : memref<1x128xi32, #tpu.memory_space<vmem>> -> memref<128xi32, #tpu.memory_space<vmem>>
      %dma_start3A_98 = arith.constant 0 : i32
      %dma_start3A_99 = arith.constant 0 : i32
      %dma_start3A_100 = tpu.memref_slice %arg14[%dma_start3A_98, %dma_start3A_99] : memref<10240x16xf32, #tpu.memory_space<vmem_shared>> -> memref<10240x16xf32, #tpu.memory_space<vmem_shared>>
      tpu.enqueue_indirect_dma source(%arg12 : memref<128x16xf32, #tpu.memory_space<vmem>>) target(%dma_start3A_100 : memref<10240x16xf32, #tpu.memory_space<vmem_shared>>) offsets(%dma_start3A_97 : memref<128xi32, #tpu.memory_space<vmem>>) semaphore(%run_scoped3A_94 : memref<!tpu.dma_semaphore, #tpu.memory_space<semaphore_mem>>) {add = true}
      %dma_wait3A_101 = arith.constant 0 : i32
      %dma_wait3A_102 = tpu.memref_slice %arg8[%run_scoped3A_77, %dma_wait3A_101] : memref<80x128xi32, #tpu.memory_space<vmem>> -> memref<1x128xi32, #tpu.memory_space<vmem>>
      %dma_wait3A_103 = tpu.memref_squeeze %dma_wait3A_102 : memref<1x128xi32, #tpu.memory_space<vmem>> -> memref<128xi32, #tpu.memory_space<vmem>>
      %dma_wait3A_104 = arith.constant 0 : i32
      %dma_wait3A_105 = arith.constant 0 : i32
      %dma_wait3A_106 = tpu.memref_slice %arg14[%dma_wait3A_104, %dma_wait3A_105] : memref<10240x16xf32, #tpu.memory_space<vmem_shared>> -> memref<10240x16xf32, #tpu.memory_space<vmem_shared>>
      tpu.wait_indirect_dma semaphore(%run_scoped3A_94 : memref<!tpu.dma_semaphore, #tpu.memory_space<semaphore_mem>>) src(%arg12 : memref<128x16xf32, #tpu.memory_space<vmem>>) dst(%dma_wait3A_106 : memref<10240x16xf32, #tpu.memory_space<vmem_shared>>)
      tpu.yield
    }) : () -> ()
    %dma_wait3A_78 = arith.constant 79 : i32
    %dma_wait3A_79 = arith.constant 0 : i32
    %dma_wait3A_80 = tpu.memref_slice %arg7[%dma_wait3A_78, %dma_wait3A_79] : memref<80x128xi32, #tpu.memory_space<vmem>> -> memref<1x128xi32, #tpu.memory_space<vmem>>
    %dma_wait3A_81 = tpu.memref_squeeze %dma_wait3A_80 : memref<1x128xi32, #tpu.memory_space<vmem>> -> memref<128xi32, #tpu.memory_space<vmem>>
    %dma_wait3A_82 = arith.constant 0 : i32
    %dma_wait3A_83 = arith.constant 0 : i32
    %dma_wait3A_84 = tpu.memref_slice %arg2[%dma_wait3A_82, %dma_wait3A_83] : memref<10240x16xf32, #tpu.memory_space<hbm>> -> memref<10240x16xf32, #tpu.memory_space<hbm>>
    tpu.wait_indirect_dma semaphore(%arg19 : memref<!tpu.dma_semaphore, #tpu.memory_space<semaphore_mem>>) src(%dma_wait3A_84 : memref<10240x16xf32, #tpu.memory_space<hbm>>) dst(%arg13 : memref<128x16xf32, #tpu.memory_space<vmem>>)
    %run_scoped3A_85 = arith.constant 79 : i32
    "tpu.region"() ({
      %run_scoped3A_94 = tpu.sem_alloc : memref<!tpu.dma_semaphore, #tpu.memory_space<semaphore_mem>>
      %dma_start3A_95 = arith.constant 0 : i32
      %dma_start3A_96 = tpu.memref_slice %arg8[%run_scoped3A_85, %dma_start3A_95] : memref<80x128xi32, #tpu.memory_space<vmem>> -> memref<1x128xi32, #tpu.memory_space<vmem>>
      %dma_start3A_97 = tpu.memref_squeeze %dma_start3A_96 : memref<1x128xi32, #tpu.memory_space<vmem>> -> memref<128xi32, #tpu.memory_space<vmem>>
      %dma_start3A_98 = arith.constant 0 : i32
      %dma_start3A_99 = arith.constant 0 : i32
      %dma_start3A_100 = tpu.memref_slice %arg14[%dma_start3A_98, %dma_start3A_99] : memref<10240x16xf32, #tpu.memory_space<vmem_shared>> -> memref<10240x16xf32, #tpu.memory_space<vmem_shared>>
      tpu.enqueue_indirect_dma source(%arg13 : memref<128x16xf32, #tpu.memory_space<vmem>>) target(%dma_start3A_100 : memref<10240x16xf32, #tpu.memory_space<vmem_shared>>) offsets(%dma_start3A_97 : memref<128xi32, #tpu.memory_space<vmem>>) semaphore(%run_scoped3A_94 : memref<!tpu.dma_semaphore, #tpu.memory_space<semaphore_mem>>) {add = true}
      %dma_wait3A_101 = arith.constant 0 : i32
      %dma_wait3A_102 = tpu.memref_slice %arg8[%run_scoped3A_85, %dma_wait3A_101] : memref<80x128xi32, #tpu.memory_space<vmem>> -> memref<1x128xi32, #tpu.memory_space<vmem>>
      %dma_wait3A_103 = tpu.memref_squeeze %dma_wait3A_102 : memref<1x128xi32, #tpu.memory_space<vmem>> -> memref<128xi32, #tpu.memory_space<vmem>>
      %dma_wait3A_104 = arith.constant 0 : i32
      %dma_wait3A_105 = arith.constant 0 : i32
      %dma_wait3A_106 = tpu.memref_slice %arg14[%dma_wait3A_104, %dma_wait3A_105] : memref<10240x16xf32, #tpu.memory_space<vmem_shared>> -> memref<10240x16xf32, #tpu.memory_space<vmem_shared>>
      tpu.wait_indirect_dma semaphore(%run_scoped3A_94 : memref<!tpu.dma_semaphore, #tpu.memory_space<semaphore_mem>>) src(%arg13 : memref<128x16xf32, #tpu.memory_space<vmem>>) dst(%dma_wait3A_106 : memref<10240x16xf32, #tpu.memory_space<vmem_shared>>)
      tpu.yield
    }) : () -> ()
    %barrier3A_86 = arith.constant 0 : index
    tpu.barrier barrier_id(%barrier3A_86)
    %mul3A_87 = arith.constant 640 : i32
    %mul3A_88 = arith.muli %arg1, %mul3A_87 : i32
    %mul3A_89 = arith.constant 10240 : i32
    %mul3A_90 = arith.muli %arg0, %mul3A_89 : i32
    %mul3A_91 = arith.constant 640 : i32
    %mul3A_92 = arith.muli %arg1, %mul3A_91 : i32
    %add3A_93 = arith.addi %mul3A_90, %mul3A_92 : i32
    "tpu.region"() ({
      %run_scoped3A_94 = tpu.sem_alloc : memref<!tpu.dma_semaphore, #tpu.memory_space<semaphore_mem>>
      %dma_start3A_95 = arith.constant 0 : i32
      %dma_start3A_96 = tpu.memref_slice %arg6[%add3A_93, %dma_start3A_95] : memref<20480x16xf32, #tpu.memory_space<hbm>> -> memref<640x16xf32, #tpu.memory_space<hbm>>
      %dma_start3A_97 = arith.constant 0 : i32
      %dma_start3A_98 = tpu.memref_slice %arg14[%mul3A_88, %dma_start3A_97] : memref<10240x16xf32, #tpu.memory_space<vmem_shared>> -> memref<640x16xf32, #tpu.memory_space<vmem_shared>>
      tpu.enqueue_dma source(%dma_start3A_98 : memref<640x16xf32, #tpu.memory_space<vmem_shared>>) target(%dma_start3A_96 : memref<640x16xf32, #tpu.memory_space<hbm>>) target_semaphore(%run_scoped3A_94 : memref<!tpu.dma_semaphore, #tpu.memory_space<semaphore_mem>>)
      %dma_wait3A_99 = arith.constant 0 : i32
      %dma_wait3A_100 = tpu.memref_slice %arg6[%add3A_93, %dma_wait3A_99] : memref<20480x16xf32, #tpu.memory_space<hbm>> -> memref<640x16xf32, #tpu.memory_space<hbm>>
      %dma_wait3A_101 = arith.constant 0 : i32
      %dma_wait3A_102 = tpu.memref_slice %arg14[%mul3A_88, %dma_wait3A_101] : memref<10240x16xf32, #tpu.memory_space<vmem_shared>> -> memref<640x16xf32, #tpu.memory_space<vmem_shared>>
      tpu.wait_dma2 semaphore(%run_scoped3A_94 : memref<!tpu.dma_semaphore, #tpu.memory_space<semaphore_mem>>) src(%dma_wait3A_102 : memref<640x16xf32, #tpu.memory_space<vmem_shared>>) dst(%dma_wait3A_100 : memref<640x16xf32, #tpu.memory_space<hbm>>)
      tpu.yield
    }) : () -> ()
    return
  }
}

#map = affine_map<(d0, d1) -> (0, 0)>
module attributes {stable_mosaic.version = 14 : i64} {
  func.func @agg_kernel(%arg0: i32, %arg1: i32, %arg2: memref<10240x32xf32, #tpu.memory_space<hbm>>, %arg3: memref<2560x128xi32, #tpu.memory_space<hbm>>, %arg4: memref<2560x128xi32, #tpu.memory_space<hbm>>, %arg5: memref<10240x32xf32, #tpu.memory_space<hbm>>, %arg6: memref<20480x32xf32, #tpu.memory_space<hbm>>, %arg7: memref<80x128xi32, #tpu.memory_space<vmem>>, %arg8: memref<80x128xi32, #tpu.memory_space<vmem>>, %arg9: memref<128x32xf32, #tpu.memory_space<vmem>>, %arg10: memref<128x32xf32, #tpu.memory_space<vmem>>, %arg11: memref<128x32xf32, #tpu.memory_space<vmem>>, %arg12: memref<128x32xf32, #tpu.memory_space<vmem>>, %arg13: memref<128x32xf32, #tpu.memory_space<vmem>>, %arg14: memref<10240x32xf32, #tpu.memory_space<vmem_shared>>, %arg15: memref<!tpu.dma_semaphore, #tpu.memory_space<semaphore_mem>>, %arg16: memref<!tpu.dma_semaphore, #tpu.memory_space<semaphore_mem>>, %arg17: memref<!tpu.dma_semaphore, #tpu.memory_space<semaphore_mem>>, %arg18: memref<!tpu.dma_semaphore, #tpu.memory_space<semaphore_mem>>, %arg19: memref<!tpu.dma_semaphore, #tpu.memory_space<semaphore_mem>>) attributes {dimension_semantics = [#tpu.dimension_semantics<core_parallel>, #tpu.dimension_semantics<subcore_parallel>], iteration_bounds = array<i64: 2, 16>, scalar_prefetch = 0 : i64, scratch_operands = 13 : i64, tpu.core_type = #tpu.core_type<sc_vector_subcore>, window_params = [{transform_indices = #map}, {transform_indices = #map}, {transform_indices = #map}, {transform_indices = #map}, {transform_indices = #map}]} {
    %mul3A = arith.constant 16 : i32
    %mul3A_0 = arith.muli %arg0, %mul3A : i32
    %add3A = arith.addi %mul3A_0, %arg1 : i32
    %mul3A_1 = arith.constant 80 : i32
    %mul3A_2 = arith.muli %add3A, %mul3A_1 : i32
    "tpu.region"() ({
      %run_scoped3A_94 = tpu.sem_alloc : memref<!tpu.dma_semaphore, #tpu.memory_space<semaphore_mem>>
      %dma_start3A_95 = arith.constant 0 : i32
      %dma_start3A_96 = tpu.memref_slice %arg3[%mul3A_2, %dma_start3A_95] : memref<2560x128xi32, #tpu.memory_space<hbm>> -> memref<80x128xi32, #tpu.memory_space<hbm>>
      %dma_start3A_97 = arith.constant 0 : i32
      %dma_start3A_98 = tpu.memref_slice %arg3[%mul3A_2, %dma_start3A_97] : memref<2560x128xi32, #tpu.memory_space<hbm>> -> memref<80x128xi32, #tpu.memory_space<hbm>>
      tpu.enqueue_dma source(%dma_start3A_98 : memref<80x128xi32, #tpu.memory_space<hbm>>) target(%arg7 : memref<80x128xi32, #tpu.memory_space<vmem>>) target_semaphore(%run_scoped3A_94 : memref<!tpu.dma_semaphore, #tpu.memory_space<semaphore_mem>>)
      %dma_wait3A_99 = arith.constant 0 : i32
      %dma_wait3A_100 = tpu.memref_slice %arg3[%mul3A_2, %dma_wait3A_99] : memref<2560x128xi32, #tpu.memory_space<hbm>> -> memref<80x128xi32, #tpu.memory_space<hbm>>
      %dma_wait3A_101 = arith.constant 0 : i32
      %dma_wait3A_102 = tpu.memref_slice %arg3[%mul3A_2, %dma_wait3A_101] : memref<2560x128xi32, #tpu.memory_space<hbm>> -> memref<80x128xi32, #tpu.memory_space<hbm>>
      tpu.wait_dma2 semaphore(%run_scoped3A_94 : memref<!tpu.dma_semaphore, #tpu.memory_space<semaphore_mem>>) src(%dma_wait3A_102 : memref<80x128xi32, #tpu.memory_space<hbm>>) dst(%arg7 : memref<80x128xi32, #tpu.memory_space<vmem>>)
      tpu.yield
    }) : () -> ()
    %mul3A_3 = arith.constant 80 : i32
    %mul3A_4 = arith.muli %add3A, %mul3A_3 : i32
    "tpu.region"() ({
      %run_scoped3A_94 = tpu.sem_alloc : memref<!tpu.dma_semaphore, #tpu.memory_space<semaphore_mem>>
      %dma_start3A_95 = arith.constant 0 : i32
      %dma_start3A_96 = tpu.memref_slice %arg4[%mul3A_4, %dma_start3A_95] : memref<2560x128xi32, #tpu.memory_space<hbm>> -> memref<80x128xi32, #tpu.memory_space<hbm>>
      %dma_start3A_97 = arith.constant 0 : i32
      %dma_start3A_98 = tpu.memref_slice %arg4[%mul3A_4, %dma_start3A_97] : memref<2560x128xi32, #tpu.memory_space<hbm>> -> memref<80x128xi32, #tpu.memory_space<hbm>>
      tpu.enqueue_dma source(%dma_start3A_98 : memref<80x128xi32, #tpu.memory_space<hbm>>) target(%arg8 : memref<80x128xi32, #tpu.memory_space<vmem>>) target_semaphore(%run_scoped3A_94 : memref<!tpu.dma_semaphore, #tpu.memory_space<semaphore_mem>>)
      %dma_wait3A_99 = arith.constant 0 : i32
      %dma_wait3A_100 = tpu.memref_slice %arg4[%mul3A_4, %dma_wait3A_99] : memref<2560x128xi32, #tpu.memory_space<hbm>> -> memref<80x128xi32, #tpu.memory_space<hbm>>
      %dma_wait3A_101 = arith.constant 0 : i32
      %dma_wait3A_102 = tpu.memref_slice %arg4[%mul3A_4, %dma_wait3A_101] : memref<2560x128xi32, #tpu.memory_space<hbm>> -> memref<80x128xi32, #tpu.memory_space<hbm>>
      tpu.wait_dma2 semaphore(%run_scoped3A_94 : memref<!tpu.dma_semaphore, #tpu.memory_space<semaphore_mem>>) src(%dma_wait3A_102 : memref<80x128xi32, #tpu.memory_space<hbm>>) dst(%arg8 : memref<80x128xi32, #tpu.memory_space<vmem>>)
      tpu.yield
    }) : () -> ()
    %mul3A_5 = arith.constant 640 : i32
    %mul3A_6 = arith.muli %arg1, %mul3A_5 : i32
    %mul3A_7 = arith.constant 640 : i32
    %mul3A_8 = arith.muli %arg1, %mul3A_7 : i32
    "tpu.region"() ({
      %run_scoped3A_94 = tpu.sem_alloc : memref<!tpu.dma_semaphore, #tpu.memory_space<semaphore_mem>>
      %dma_start3A_95 = arith.constant 0 : i32
      %dma_start3A_96 = tpu.memref_slice %arg14[%mul3A_8, %dma_start3A_95] : memref<10240x32xf32, #tpu.memory_space<vmem_shared>> -> memref<640x32xf32, #tpu.memory_space<vmem_shared>>
      %dma_start3A_97 = arith.constant 0 : i32
      %dma_start3A_98 = tpu.memref_slice %arg5[%mul3A_6, %dma_start3A_97] : memref<10240x32xf32, #tpu.memory_space<hbm>> -> memref<640x32xf32, #tpu.memory_space<hbm>>
      tpu.enqueue_dma source(%dma_start3A_98 : memref<640x32xf32, #tpu.memory_space<hbm>>) target(%dma_start3A_96 : memref<640x32xf32, #tpu.memory_space<vmem_shared>>) target_semaphore(%run_scoped3A_94 : memref<!tpu.dma_semaphore, #tpu.memory_space<semaphore_mem>>)
      %dma_wait3A_99 = arith.constant 0 : i32
      %dma_wait3A_100 = tpu.memref_slice %arg14[%mul3A_8, %dma_wait3A_99] : memref<10240x32xf32, #tpu.memory_space<vmem_shared>> -> memref<640x32xf32, #tpu.memory_space<vmem_shared>>
      %dma_wait3A_101 = arith.constant 0 : i32
      %dma_wait3A_102 = tpu.memref_slice %arg5[%mul3A_6, %dma_wait3A_101] : memref<10240x32xf32, #tpu.memory_space<hbm>> -> memref<640x32xf32, #tpu.memory_space<hbm>>
      tpu.wait_dma2 semaphore(%run_scoped3A_94 : memref<!tpu.dma_semaphore, #tpu.memory_space<semaphore_mem>>) src(%dma_wait3A_102 : memref<640x32xf32, #tpu.memory_space<hbm>>) dst(%dma_wait3A_100 : memref<640x32xf32, #tpu.memory_space<vmem_shared>>)
      tpu.yield
    }) : () -> ()
    %barrier3A = arith.constant 0 : index
    tpu.barrier barrier_id(%barrier3A)
    %dma_start3A = arith.constant 0 : i32
    %dma_start3A_9 = arith.constant 0 : i32
    %dma_start3A_10 = tpu.memref_slice %arg7[%dma_start3A, %dma_start3A_9] : memref<80x128xi32, #tpu.memory_space<vmem>> -> memref<1x128xi32, #tpu.memory_space<vmem>>
    %dma_start3A_11 = tpu.memref_squeeze %dma_start3A_10 : memref<1x128xi32, #tpu.memory_space<vmem>> -> memref<128xi32, #tpu.memory_space<vmem>>
    %dma_start3A_12 = arith.constant 0 : i32
    %dma_start3A_13 = arith.constant 0 : i32
    %dma_start3A_14 = tpu.memref_slice %arg2[%dma_start3A_12, %dma_start3A_13] : memref<10240x32xf32, #tpu.memory_space<hbm>> -> memref<10240x32xf32, #tpu.memory_space<hbm>>
    tpu.enqueue_indirect_dma source(%dma_start3A_14 : memref<10240x32xf32, #tpu.memory_space<hbm>>) target(%arg9 : memref<128x32xf32, #tpu.memory_space<vmem>>) offsets(%dma_start3A_11 : memref<128xi32, #tpu.memory_space<vmem>>) semaphore(%arg15 : memref<!tpu.dma_semaphore, #tpu.memory_space<semaphore_mem>>)
    %dma_start3A_15 = arith.constant 1 : i32
    %dma_start3A_16 = arith.constant 0 : i32
    %dma_start3A_17 = tpu.memref_slice %arg7[%dma_start3A_15, %dma_start3A_16] : memref<80x128xi32, #tpu.memory_space<vmem>> -> memref<1x128xi32, #tpu.memory_space<vmem>>
    %dma_start3A_18 = tpu.memref_squeeze %dma_start3A_17 : memref<1x128xi32, #tpu.memory_space<vmem>> -> memref<128xi32, #tpu.memory_space<vmem>>
    %dma_start3A_19 = arith.constant 0 : i32
    %dma_start3A_20 = arith.constant 0 : i32
    %dma_start3A_21 = tpu.memref_slice %arg2[%dma_start3A_19, %dma_start3A_20] : memref<10240x32xf32, #tpu.memory_space<hbm>> -> memref<10240x32xf32, #tpu.memory_space<hbm>>
    tpu.enqueue_indirect_dma source(%dma_start3A_21 : memref<10240x32xf32, #tpu.memory_space<hbm>>) target(%arg10 : memref<128x32xf32, #tpu.memory_space<vmem>>) offsets(%dma_start3A_18 : memref<128xi32, #tpu.memory_space<vmem>>) semaphore(%arg16 : memref<!tpu.dma_semaphore, #tpu.memory_space<semaphore_mem>>)
    %dma_start3A_22 = arith.constant 2 : i32
    %dma_start3A_23 = arith.constant 0 : i32
    %dma_start3A_24 = tpu.memref_slice %arg7[%dma_start3A_22, %dma_start3A_23] : memref<80x128xi32, #tpu.memory_space<vmem>> -> memref<1x128xi32, #tpu.memory_space<vmem>>
    %dma_start3A_25 = tpu.memref_squeeze %dma_start3A_24 : memref<1x128xi32, #tpu.memory_space<vmem>> -> memref<128xi32, #tpu.memory_space<vmem>>
    %dma_start3A_26 = arith.constant 0 : i32
    %dma_start3A_27 = arith.constant 0 : i32
    %dma_start3A_28 = tpu.memref_slice %arg2[%dma_start3A_26, %dma_start3A_27] : memref<10240x32xf32, #tpu.memory_space<hbm>> -> memref<10240x32xf32, #tpu.memory_space<hbm>>
    tpu.enqueue_indirect_dma source(%dma_start3A_28 : memref<10240x32xf32, #tpu.memory_space<hbm>>) target(%arg11 : memref<128x32xf32, #tpu.memory_space<vmem>>) offsets(%dma_start3A_25 : memref<128xi32, #tpu.memory_space<vmem>>) semaphore(%arg17 : memref<!tpu.dma_semaphore, #tpu.memory_space<semaphore_mem>>)
    %dma_start3A_29 = arith.constant 3 : i32
    %dma_start3A_30 = arith.constant 0 : i32
    %dma_start3A_31 = tpu.memref_slice %arg7[%dma_start3A_29, %dma_start3A_30] : memref<80x128xi32, #tpu.memory_space<vmem>> -> memref<1x128xi32, #tpu.memory_space<vmem>>
    %dma_start3A_32 = tpu.memref_squeeze %dma_start3A_31 : memref<1x128xi32, #tpu.memory_space<vmem>> -> memref<128xi32, #tpu.memory_space<vmem>>
    %dma_start3A_33 = arith.constant 0 : i32
    %dma_start3A_34 = arith.constant 0 : i32
    %dma_start3A_35 = tpu.memref_slice %arg2[%dma_start3A_33, %dma_start3A_34] : memref<10240x32xf32, #tpu.memory_space<hbm>> -> memref<10240x32xf32, #tpu.memory_space<hbm>>
    tpu.enqueue_indirect_dma source(%dma_start3A_35 : memref<10240x32xf32, #tpu.memory_space<hbm>>) target(%arg12 : memref<128x32xf32, #tpu.memory_space<vmem>>) offsets(%dma_start3A_32 : memref<128xi32, #tpu.memory_space<vmem>>) semaphore(%arg18 : memref<!tpu.dma_semaphore, #tpu.memory_space<semaphore_mem>>)
    %dma_start3A_36 = arith.constant 4 : i32
    %dma_start3A_37 = arith.constant 0 : i32
    %dma_start3A_38 = tpu.memref_slice %arg7[%dma_start3A_36, %dma_start3A_37] : memref<80x128xi32, #tpu.memory_space<vmem>> -> memref<1x128xi32, #tpu.memory_space<vmem>>
    %dma_start3A_39 = tpu.memref_squeeze %dma_start3A_38 : memref<1x128xi32, #tpu.memory_space<vmem>> -> memref<128xi32, #tpu.memory_space<vmem>>
    %dma_start3A_40 = arith.constant 0 : i32
    %dma_start3A_41 = arith.constant 0 : i32
    %dma_start3A_42 = tpu.memref_slice %arg2[%dma_start3A_40, %dma_start3A_41] : memref<10240x32xf32, #tpu.memory_space<hbm>> -> memref<10240x32xf32, #tpu.memory_space<hbm>>
    tpu.enqueue_indirect_dma source(%dma_start3A_42 : memref<10240x32xf32, #tpu.memory_space<hbm>>) target(%arg13 : memref<128x32xf32, #tpu.memory_space<vmem>>) offsets(%dma_start3A_39 : memref<128xi32, #tpu.memory_space<vmem>>) semaphore(%arg19 : memref<!tpu.dma_semaphore, #tpu.memory_space<semaphore_mem>>)
    %scan3A = arith.constant 0 : i32
    %scan3A_43 = arith.constant 0 : i32
    %scan3A_44 = arith.constant 15 : i32
    %scan3A_45 = arith.addi %scan3A_43, %scan3A_44 : i32
    %scan3A_46 = arith.constant 1 : i32
    scf.for %scan3A_94 = %scan3A_43 to %scan3A_45 step %scan3A_46  : i32 {
      %mul3A_95 = arith.constant 5 : i32
      %mul3A_96 = arith.muli %scan3A_94, %mul3A_95 : i32
      %add3A_97 = arith.constant 0 : i32
      %add3A_98 = arith.addi %mul3A_96, %add3A_97 : i32
      %dma_wait3A_99 = arith.constant 0 : i32
      %dma_wait3A_100 = tpu.memref_slice %arg7[%add3A_98, %dma_wait3A_99] : memref<80x128xi32, #tpu.memory_space<vmem>> -> memref<1x128xi32, #tpu.memory_space<vmem>>
      %dma_wait3A_101 = tpu.memref_squeeze %dma_wait3A_100 : memref<1x128xi32, #tpu.memory_space<vmem>> -> memref<128xi32, #tpu.memory_space<vmem>>
      %dma_wait3A_102 = arith.constant 0 : i32
      %dma_wait3A_103 = arith.constant 0 : i32
      %dma_wait3A_104 = tpu.memref_slice %arg2[%dma_wait3A_102, %dma_wait3A_103] : memref<10240x32xf32, #tpu.memory_space<hbm>> -> memref<10240x32xf32, #tpu.memory_space<hbm>>
      tpu.wait_indirect_dma semaphore(%arg15 : memref<!tpu.dma_semaphore, #tpu.memory_space<semaphore_mem>>) src(%dma_wait3A_104 : memref<10240x32xf32, #tpu.memory_space<hbm>>) dst(%arg9 : memref<128x32xf32, #tpu.memory_space<vmem>>)
      "tpu.region"() ({
        %run_scoped3A_177 = tpu.sem_alloc : memref<!tpu.dma_semaphore, #tpu.memory_space<semaphore_mem>>
        %dma_start3A_178 = arith.constant 0 : i32
        %dma_start3A_179 = tpu.memref_slice %arg8[%add3A_98, %dma_start3A_178] : memref<80x128xi32, #tpu.memory_space<vmem>> -> memref<1x128xi32, #tpu.memory_space<vmem>>
        %dma_start3A_180 = tpu.memref_squeeze %dma_start3A_179 : memref<1x128xi32, #tpu.memory_space<vmem>> -> memref<128xi32, #tpu.memory_space<vmem>>
        %dma_start3A_181 = arith.constant 0 : i32
        %dma_start3A_182 = arith.constant 0 : i32
        %dma_start3A_183 = tpu.memref_slice %arg14[%dma_start3A_181, %dma_start3A_182] : memref<10240x32xf32, #tpu.memory_space<vmem_shared>> -> memref<10240x32xf32, #tpu.memory_space<vmem_shared>>
        tpu.enqueue_indirect_dma source(%arg9 : memref<128x32xf32, #tpu.memory_space<vmem>>) target(%dma_start3A_183 : memref<10240x32xf32, #tpu.memory_space<vmem_shared>>) offsets(%dma_start3A_180 : memref<128xi32, #tpu.memory_space<vmem>>) semaphore(%run_scoped3A_177 : memref<!tpu.dma_semaphore, #tpu.memory_space<semaphore_mem>>) {add = true}
        %dma_wait3A_184 = arith.constant 0 : i32
        %dma_wait3A_185 = tpu.memref_slice %arg8[%add3A_98, %dma_wait3A_184] : memref<80x128xi32, #tpu.memory_space<vmem>> -> memref<1x128xi32, #tpu.memory_space<vmem>>
        %dma_wait3A_186 = tpu.memref_squeeze %dma_wait3A_185 : memref<1x128xi32, #tpu.memory_space<vmem>> -> memref<128xi32, #tpu.memory_space<vmem>>
        %dma_wait3A_187 = arith.constant 0 : i32
        %dma_wait3A_188 = arith.constant 0 : i32
        %dma_wait3A_189 = tpu.memref_slice %arg14[%dma_wait3A_187, %dma_wait3A_188] : memref<10240x32xf32, #tpu.memory_space<vmem_shared>> -> memref<10240x32xf32, #tpu.memory_space<vmem_shared>>
        tpu.wait_indirect_dma semaphore(%run_scoped3A_177 : memref<!tpu.dma_semaphore, #tpu.memory_space<semaphore_mem>>) src(%arg9 : memref<128x32xf32, #tpu.memory_space<vmem>>) dst(%dma_wait3A_189 : memref<10240x32xf32, #tpu.memory_space<vmem_shared>>)
        tpu.yield
      }) : () -> ()
      %add3A_105 = arith.constant 5 : i32
      %add3A_106 = arith.addi %add3A_98, %add3A_105 : i32
      %dma_start3A_107 = arith.constant 0 : i32
      %dma_start3A_108 = tpu.memref_slice %arg7[%add3A_106, %dma_start3A_107] : memref<80x128xi32, #tpu.memory_space<vmem>> -> memref<1x128xi32, #tpu.memory_space<vmem>>
      %dma_start3A_109 = tpu.memref_squeeze %dma_start3A_108 : memref<1x128xi32, #tpu.memory_space<vmem>> -> memref<128xi32, #tpu.memory_space<vmem>>
      %dma_start3A_110 = arith.constant 0 : i32
      %dma_start3A_111 = arith.constant 0 : i32
      %dma_start3A_112 = tpu.memref_slice %arg2[%dma_start3A_110, %dma_start3A_111] : memref<10240x32xf32, #tpu.memory_space<hbm>> -> memref<10240x32xf32, #tpu.memory_space<hbm>>
      tpu.enqueue_indirect_dma source(%dma_start3A_112 : memref<10240x32xf32, #tpu.memory_space<hbm>>) target(%arg9 : memref<128x32xf32, #tpu.memory_space<vmem>>) offsets(%dma_start3A_109 : memref<128xi32, #tpu.memory_space<vmem>>) semaphore(%arg15 : memref<!tpu.dma_semaphore, #tpu.memory_space<semaphore_mem>>)
      %add3A_113 = arith.constant 1 : i32
      %add3A_114 = arith.addi %mul3A_96, %add3A_113 : i32
      %dma_wait3A_115 = arith.constant 0 : i32
      %dma_wait3A_116 = tpu.memref_slice %arg7[%add3A_114, %dma_wait3A_115] : memref<80x128xi32, #tpu.memory_space<vmem>> -> memref<1x128xi32, #tpu.memory_space<vmem>>
      %dma_wait3A_117 = tpu.memref_squeeze %dma_wait3A_116 : memref<1x128xi32, #tpu.memory_space<vmem>> -> memref<128xi32, #tpu.memory_space<vmem>>
      %dma_wait3A_118 = arith.constant 0 : i32
      %dma_wait3A_119 = arith.constant 0 : i32
      %dma_wait3A_120 = tpu.memref_slice %arg2[%dma_wait3A_118, %dma_wait3A_119] : memref<10240x32xf32, #tpu.memory_space<hbm>> -> memref<10240x32xf32, #tpu.memory_space<hbm>>
      tpu.wait_indirect_dma semaphore(%arg16 : memref<!tpu.dma_semaphore, #tpu.memory_space<semaphore_mem>>) src(%dma_wait3A_120 : memref<10240x32xf32, #tpu.memory_space<hbm>>) dst(%arg10 : memref<128x32xf32, #tpu.memory_space<vmem>>)
      "tpu.region"() ({
        %run_scoped3A_177 = tpu.sem_alloc : memref<!tpu.dma_semaphore, #tpu.memory_space<semaphore_mem>>
        %dma_start3A_178 = arith.constant 0 : i32
        %dma_start3A_179 = tpu.memref_slice %arg8[%add3A_114, %dma_start3A_178] : memref<80x128xi32, #tpu.memory_space<vmem>> -> memref<1x128xi32, #tpu.memory_space<vmem>>
        %dma_start3A_180 = tpu.memref_squeeze %dma_start3A_179 : memref<1x128xi32, #tpu.memory_space<vmem>> -> memref<128xi32, #tpu.memory_space<vmem>>
        %dma_start3A_181 = arith.constant 0 : i32
        %dma_start3A_182 = arith.constant 0 : i32
        %dma_start3A_183 = tpu.memref_slice %arg14[%dma_start3A_181, %dma_start3A_182] : memref<10240x32xf32, #tpu.memory_space<vmem_shared>> -> memref<10240x32xf32, #tpu.memory_space<vmem_shared>>
        tpu.enqueue_indirect_dma source(%arg10 : memref<128x32xf32, #tpu.memory_space<vmem>>) target(%dma_start3A_183 : memref<10240x32xf32, #tpu.memory_space<vmem_shared>>) offsets(%dma_start3A_180 : memref<128xi32, #tpu.memory_space<vmem>>) semaphore(%run_scoped3A_177 : memref<!tpu.dma_semaphore, #tpu.memory_space<semaphore_mem>>) {add = true}
        %dma_wait3A_184 = arith.constant 0 : i32
        %dma_wait3A_185 = tpu.memref_slice %arg8[%add3A_114, %dma_wait3A_184] : memref<80x128xi32, #tpu.memory_space<vmem>> -> memref<1x128xi32, #tpu.memory_space<vmem>>
        %dma_wait3A_186 = tpu.memref_squeeze %dma_wait3A_185 : memref<1x128xi32, #tpu.memory_space<vmem>> -> memref<128xi32, #tpu.memory_space<vmem>>
        %dma_wait3A_187 = arith.constant 0 : i32
        %dma_wait3A_188 = arith.constant 0 : i32
        %dma_wait3A_189 = tpu.memref_slice %arg14[%dma_wait3A_187, %dma_wait3A_188] : memref<10240x32xf32, #tpu.memory_space<vmem_shared>> -> memref<10240x32xf32, #tpu.memory_space<vmem_shared>>
        tpu.wait_indirect_dma semaphore(%run_scoped3A_177 : memref<!tpu.dma_semaphore, #tpu.memory_space<semaphore_mem>>) src(%arg10 : memref<128x32xf32, #tpu.memory_space<vmem>>) dst(%dma_wait3A_189 : memref<10240x32xf32, #tpu.memory_space<vmem_shared>>)
        tpu.yield
      }) : () -> ()
      %add3A_121 = arith.constant 5 : i32
      %add3A_122 = arith.addi %add3A_114, %add3A_121 : i32
      %dma_start3A_123 = arith.constant 0 : i32
      %dma_start3A_124 = tpu.memref_slice %arg7[%add3A_122, %dma_start3A_123] : memref<80x128xi32, #tpu.memory_space<vmem>> -> memref<1x128xi32, #tpu.memory_space<vmem>>
      %dma_start3A_125 = tpu.memref_squeeze %dma_start3A_124 : memref<1x128xi32, #tpu.memory_space<vmem>> -> memref<128xi32, #tpu.memory_space<vmem>>
      %dma_start3A_126 = arith.constant 0 : i32
      %dma_start3A_127 = arith.constant 0 : i32
      %dma_start3A_128 = tpu.memref_slice %arg2[%dma_start3A_126, %dma_start3A_127] : memref<10240x32xf32, #tpu.memory_space<hbm>> -> memref<10240x32xf32, #tpu.memory_space<hbm>>
      tpu.enqueue_indirect_dma source(%dma_start3A_128 : memref<10240x32xf32, #tpu.memory_space<hbm>>) target(%arg10 : memref<128x32xf32, #tpu.memory_space<vmem>>) offsets(%dma_start3A_125 : memref<128xi32, #tpu.memory_space<vmem>>) semaphore(%arg16 : memref<!tpu.dma_semaphore, #tpu.memory_space<semaphore_mem>>)
      %add3A_129 = arith.constant 2 : i32
      %add3A_130 = arith.addi %mul3A_96, %add3A_129 : i32
      %dma_wait3A_131 = arith.constant 0 : i32
      %dma_wait3A_132 = tpu.memref_slice %arg7[%add3A_130, %dma_wait3A_131] : memref<80x128xi32, #tpu.memory_space<vmem>> -> memref<1x128xi32, #tpu.memory_space<vmem>>
      %dma_wait3A_133 = tpu.memref_squeeze %dma_wait3A_132 : memref<1x128xi32, #tpu.memory_space<vmem>> -> memref<128xi32, #tpu.memory_space<vmem>>
      %dma_wait3A_134 = arith.constant 0 : i32
      %dma_wait3A_135 = arith.constant 0 : i32
      %dma_wait3A_136 = tpu.memref_slice %arg2[%dma_wait3A_134, %dma_wait3A_135] : memref<10240x32xf32, #tpu.memory_space<hbm>> -> memref<10240x32xf32, #tpu.memory_space<hbm>>
      tpu.wait_indirect_dma semaphore(%arg17 : memref<!tpu.dma_semaphore, #tpu.memory_space<semaphore_mem>>) src(%dma_wait3A_136 : memref<10240x32xf32, #tpu.memory_space<hbm>>) dst(%arg11 : memref<128x32xf32, #tpu.memory_space<vmem>>)
      "tpu.region"() ({
        %run_scoped3A_177 = tpu.sem_alloc : memref<!tpu.dma_semaphore, #tpu.memory_space<semaphore_mem>>
        %dma_start3A_178 = arith.constant 0 : i32
        %dma_start3A_179 = tpu.memref_slice %arg8[%add3A_130, %dma_start3A_178] : memref<80x128xi32, #tpu.memory_space<vmem>> -> memref<1x128xi32, #tpu.memory_space<vmem>>
        %dma_start3A_180 = tpu.memref_squeeze %dma_start3A_179 : memref<1x128xi32, #tpu.memory_space<vmem>> -> memref<128xi32, #tpu.memory_space<vmem>>
        %dma_start3A_181 = arith.constant 0 : i32
        %dma_start3A_182 = arith.constant 0 : i32
        %dma_start3A_183 = tpu.memref_slice %arg14[%dma_start3A_181, %dma_start3A_182] : memref<10240x32xf32, #tpu.memory_space<vmem_shared>> -> memref<10240x32xf32, #tpu.memory_space<vmem_shared>>
        tpu.enqueue_indirect_dma source(%arg11 : memref<128x32xf32, #tpu.memory_space<vmem>>) target(%dma_start3A_183 : memref<10240x32xf32, #tpu.memory_space<vmem_shared>>) offsets(%dma_start3A_180 : memref<128xi32, #tpu.memory_space<vmem>>) semaphore(%run_scoped3A_177 : memref<!tpu.dma_semaphore, #tpu.memory_space<semaphore_mem>>) {add = true}
        %dma_wait3A_184 = arith.constant 0 : i32
        %dma_wait3A_185 = tpu.memref_slice %arg8[%add3A_130, %dma_wait3A_184] : memref<80x128xi32, #tpu.memory_space<vmem>> -> memref<1x128xi32, #tpu.memory_space<vmem>>
        %dma_wait3A_186 = tpu.memref_squeeze %dma_wait3A_185 : memref<1x128xi32, #tpu.memory_space<vmem>> -> memref<128xi32, #tpu.memory_space<vmem>>
        %dma_wait3A_187 = arith.constant 0 : i32
        %dma_wait3A_188 = arith.constant 0 : i32
        %dma_wait3A_189 = tpu.memref_slice %arg14[%dma_wait3A_187, %dma_wait3A_188] : memref<10240x32xf32, #tpu.memory_space<vmem_shared>> -> memref<10240x32xf32, #tpu.memory_space<vmem_shared>>
        tpu.wait_indirect_dma semaphore(%run_scoped3A_177 : memref<!tpu.dma_semaphore, #tpu.memory_space<semaphore_mem>>) src(%arg11 : memref<128x32xf32, #tpu.memory_space<vmem>>) dst(%dma_wait3A_189 : memref<10240x32xf32, #tpu.memory_space<vmem_shared>>)
        tpu.yield
      }) : () -> ()
      %add3A_137 = arith.constant 5 : i32
      %add3A_138 = arith.addi %add3A_130, %add3A_137 : i32
      %dma_start3A_139 = arith.constant 0 : i32
      %dma_start3A_140 = tpu.memref_slice %arg7[%add3A_138, %dma_start3A_139] : memref<80x128xi32, #tpu.memory_space<vmem>> -> memref<1x128xi32, #tpu.memory_space<vmem>>
      %dma_start3A_141 = tpu.memref_squeeze %dma_start3A_140 : memref<1x128xi32, #tpu.memory_space<vmem>> -> memref<128xi32, #tpu.memory_space<vmem>>
      %dma_start3A_142 = arith.constant 0 : i32
      %dma_start3A_143 = arith.constant 0 : i32
      %dma_start3A_144 = tpu.memref_slice %arg2[%dma_start3A_142, %dma_start3A_143] : memref<10240x32xf32, #tpu.memory_space<hbm>> -> memref<10240x32xf32, #tpu.memory_space<hbm>>
      tpu.enqueue_indirect_dma source(%dma_start3A_144 : memref<10240x32xf32, #tpu.memory_space<hbm>>) target(%arg11 : memref<128x32xf32, #tpu.memory_space<vmem>>) offsets(%dma_start3A_141 : memref<128xi32, #tpu.memory_space<vmem>>) semaphore(%arg17 : memref<!tpu.dma_semaphore, #tpu.memory_space<semaphore_mem>>)
      %add3A_145 = arith.constant 3 : i32
      %add3A_146 = arith.addi %mul3A_96, %add3A_145 : i32
      %dma_wait3A_147 = arith.constant 0 : i32
      %dma_wait3A_148 = tpu.memref_slice %arg7[%add3A_146, %dma_wait3A_147] : memref<80x128xi32, #tpu.memory_space<vmem>> -> memref<1x128xi32, #tpu.memory_space<vmem>>
      %dma_wait3A_149 = tpu.memref_squeeze %dma_wait3A_148 : memref<1x128xi32, #tpu.memory_space<vmem>> -> memref<128xi32, #tpu.memory_space<vmem>>
      %dma_wait3A_150 = arith.constant 0 : i32
      %dma_wait3A_151 = arith.constant 0 : i32
      %dma_wait3A_152 = tpu.memref_slice %arg2[%dma_wait3A_150, %dma_wait3A_151] : memref<10240x32xf32, #tpu.memory_space<hbm>> -> memref<10240x32xf32, #tpu.memory_space<hbm>>
      tpu.wait_indirect_dma semaphore(%arg18 : memref<!tpu.dma_semaphore, #tpu.memory_space<semaphore_mem>>) src(%dma_wait3A_152 : memref<10240x32xf32, #tpu.memory_space<hbm>>) dst(%arg12 : memref<128x32xf32, #tpu.memory_space<vmem>>)
      "tpu.region"() ({
        %run_scoped3A_177 = tpu.sem_alloc : memref<!tpu.dma_semaphore, #tpu.memory_space<semaphore_mem>>
        %dma_start3A_178 = arith.constant 0 : i32
        %dma_start3A_179 = tpu.memref_slice %arg8[%add3A_146, %dma_start3A_178] : memref<80x128xi32, #tpu.memory_space<vmem>> -> memref<1x128xi32, #tpu.memory_space<vmem>>
        %dma_start3A_180 = tpu.memref_squeeze %dma_start3A_179 : memref<1x128xi32, #tpu.memory_space<vmem>> -> memref<128xi32, #tpu.memory_space<vmem>>
        %dma_start3A_181 = arith.constant 0 : i32
        %dma_start3A_182 = arith.constant 0 : i32
        %dma_start3A_183 = tpu.memref_slice %arg14[%dma_start3A_181, %dma_start3A_182] : memref<10240x32xf32, #tpu.memory_space<vmem_shared>> -> memref<10240x32xf32, #tpu.memory_space<vmem_shared>>
        tpu.enqueue_indirect_dma source(%arg12 : memref<128x32xf32, #tpu.memory_space<vmem>>) target(%dma_start3A_183 : memref<10240x32xf32, #tpu.memory_space<vmem_shared>>) offsets(%dma_start3A_180 : memref<128xi32, #tpu.memory_space<vmem>>) semaphore(%run_scoped3A_177 : memref<!tpu.dma_semaphore, #tpu.memory_space<semaphore_mem>>) {add = true}
        %dma_wait3A_184 = arith.constant 0 : i32
        %dma_wait3A_185 = tpu.memref_slice %arg8[%add3A_146, %dma_wait3A_184] : memref<80x128xi32, #tpu.memory_space<vmem>> -> memref<1x128xi32, #tpu.memory_space<vmem>>
        %dma_wait3A_186 = tpu.memref_squeeze %dma_wait3A_185 : memref<1x128xi32, #tpu.memory_space<vmem>> -> memref<128xi32, #tpu.memory_space<vmem>>
        %dma_wait3A_187 = arith.constant 0 : i32
        %dma_wait3A_188 = arith.constant 0 : i32
        %dma_wait3A_189 = tpu.memref_slice %arg14[%dma_wait3A_187, %dma_wait3A_188] : memref<10240x32xf32, #tpu.memory_space<vmem_shared>> -> memref<10240x32xf32, #tpu.memory_space<vmem_shared>>
        tpu.wait_indirect_dma semaphore(%run_scoped3A_177 : memref<!tpu.dma_semaphore, #tpu.memory_space<semaphore_mem>>) src(%arg12 : memref<128x32xf32, #tpu.memory_space<vmem>>) dst(%dma_wait3A_189 : memref<10240x32xf32, #tpu.memory_space<vmem_shared>>)
        tpu.yield
      }) : () -> ()
      %add3A_153 = arith.constant 5 : i32
      %add3A_154 = arith.addi %add3A_146, %add3A_153 : i32
      %dma_start3A_155 = arith.constant 0 : i32
      %dma_start3A_156 = tpu.memref_slice %arg7[%add3A_154, %dma_start3A_155] : memref<80x128xi32, #tpu.memory_space<vmem>> -> memref<1x128xi32, #tpu.memory_space<vmem>>
      %dma_start3A_157 = tpu.memref_squeeze %dma_start3A_156 : memref<1x128xi32, #tpu.memory_space<vmem>> -> memref<128xi32, #tpu.memory_space<vmem>>
      %dma_start3A_158 = arith.constant 0 : i32
      %dma_start3A_159 = arith.constant 0 : i32
      %dma_start3A_160 = tpu.memref_slice %arg2[%dma_start3A_158, %dma_start3A_159] : memref<10240x32xf32, #tpu.memory_space<hbm>> -> memref<10240x32xf32, #tpu.memory_space<hbm>>
      tpu.enqueue_indirect_dma source(%dma_start3A_160 : memref<10240x32xf32, #tpu.memory_space<hbm>>) target(%arg12 : memref<128x32xf32, #tpu.memory_space<vmem>>) offsets(%dma_start3A_157 : memref<128xi32, #tpu.memory_space<vmem>>) semaphore(%arg18 : memref<!tpu.dma_semaphore, #tpu.memory_space<semaphore_mem>>)
      %add3A_161 = arith.constant 4 : i32
      %add3A_162 = arith.addi %mul3A_96, %add3A_161 : i32
      %dma_wait3A_163 = arith.constant 0 : i32
      %dma_wait3A_164 = tpu.memref_slice %arg7[%add3A_162, %dma_wait3A_163] : memref<80x128xi32, #tpu.memory_space<vmem>> -> memref<1x128xi32, #tpu.memory_space<vmem>>
      %dma_wait3A_165 = tpu.memref_squeeze %dma_wait3A_164 : memref<1x128xi32, #tpu.memory_space<vmem>> -> memref<128xi32, #tpu.memory_space<vmem>>
      %dma_wait3A_166 = arith.constant 0 : i32
      %dma_wait3A_167 = arith.constant 0 : i32
      %dma_wait3A_168 = tpu.memref_slice %arg2[%dma_wait3A_166, %dma_wait3A_167] : memref<10240x32xf32, #tpu.memory_space<hbm>> -> memref<10240x32xf32, #tpu.memory_space<hbm>>
      tpu.wait_indirect_dma semaphore(%arg19 : memref<!tpu.dma_semaphore, #tpu.memory_space<semaphore_mem>>) src(%dma_wait3A_168 : memref<10240x32xf32, #tpu.memory_space<hbm>>) dst(%arg13 : memref<128x32xf32, #tpu.memory_space<vmem>>)
      "tpu.region"() ({
        %run_scoped3A_177 = tpu.sem_alloc : memref<!tpu.dma_semaphore, #tpu.memory_space<semaphore_mem>>
        %dma_start3A_178 = arith.constant 0 : i32
        %dma_start3A_179 = tpu.memref_slice %arg8[%add3A_162, %dma_start3A_178] : memref<80x128xi32, #tpu.memory_space<vmem>> -> memref<1x128xi32, #tpu.memory_space<vmem>>
        %dma_start3A_180 = tpu.memref_squeeze %dma_start3A_179 : memref<1x128xi32, #tpu.memory_space<vmem>> -> memref<128xi32, #tpu.memory_space<vmem>>
        %dma_start3A_181 = arith.constant 0 : i32
        %dma_start3A_182 = arith.constant 0 : i32
        %dma_start3A_183 = tpu.memref_slice %arg14[%dma_start3A_181, %dma_start3A_182] : memref<10240x32xf32, #tpu.memory_space<vmem_shared>> -> memref<10240x32xf32, #tpu.memory_space<vmem_shared>>
        tpu.enqueue_indirect_dma source(%arg13 : memref<128x32xf32, #tpu.memory_space<vmem>>) target(%dma_start3A_183 : memref<10240x32xf32, #tpu.memory_space<vmem_shared>>) offsets(%dma_start3A_180 : memref<128xi32, #tpu.memory_space<vmem>>) semaphore(%run_scoped3A_177 : memref<!tpu.dma_semaphore, #tpu.memory_space<semaphore_mem>>) {add = true}
        %dma_wait3A_184 = arith.constant 0 : i32
        %dma_wait3A_185 = tpu.memref_slice %arg8[%add3A_162, %dma_wait3A_184] : memref<80x128xi32, #tpu.memory_space<vmem>> -> memref<1x128xi32, #tpu.memory_space<vmem>>
        %dma_wait3A_186 = tpu.memref_squeeze %dma_wait3A_185 : memref<1x128xi32, #tpu.memory_space<vmem>> -> memref<128xi32, #tpu.memory_space<vmem>>
        %dma_wait3A_187 = arith.constant 0 : i32
        %dma_wait3A_188 = arith.constant 0 : i32
        %dma_wait3A_189 = tpu.memref_slice %arg14[%dma_wait3A_187, %dma_wait3A_188] : memref<10240x32xf32, #tpu.memory_space<vmem_shared>> -> memref<10240x32xf32, #tpu.memory_space<vmem_shared>>
        tpu.wait_indirect_dma semaphore(%run_scoped3A_177 : memref<!tpu.dma_semaphore, #tpu.memory_space<semaphore_mem>>) src(%arg13 : memref<128x32xf32, #tpu.memory_space<vmem>>) dst(%dma_wait3A_189 : memref<10240x32xf32, #tpu.memory_space<vmem_shared>>)
        tpu.yield
      }) : () -> ()
      %add3A_169 = arith.constant 5 : i32
      %add3A_170 = arith.addi %add3A_162, %add3A_169 : i32
      %dma_start3A_171 = arith.constant 0 : i32
      %dma_start3A_172 = tpu.memref_slice %arg7[%add3A_170, %dma_start3A_171] : memref<80x128xi32, #tpu.memory_space<vmem>> -> memref<1x128xi32, #tpu.memory_space<vmem>>
      %dma_start3A_173 = tpu.memref_squeeze %dma_start3A_172 : memref<1x128xi32, #tpu.memory_space<vmem>> -> memref<128xi32, #tpu.memory_space<vmem>>
      %dma_start3A_174 = arith.constant 0 : i32
      %dma_start3A_175 = arith.constant 0 : i32
      %dma_start3A_176 = tpu.memref_slice %arg2[%dma_start3A_174, %dma_start3A_175] : memref<10240x32xf32, #tpu.memory_space<hbm>> -> memref<10240x32xf32, #tpu.memory_space<hbm>>
      tpu.enqueue_indirect_dma source(%dma_start3A_176 : memref<10240x32xf32, #tpu.memory_space<hbm>>) target(%arg13 : memref<128x32xf32, #tpu.memory_space<vmem>>) offsets(%dma_start3A_173 : memref<128xi32, #tpu.memory_space<vmem>>) semaphore(%arg19 : memref<!tpu.dma_semaphore, #tpu.memory_space<semaphore_mem>>)
    }
    %scan3A_47 = arith.constant 15 : i32
    %dma_wait3A = arith.constant 75 : i32
    %dma_wait3A_48 = arith.constant 0 : i32
    %dma_wait3A_49 = tpu.memref_slice %arg7[%dma_wait3A, %dma_wait3A_48] : memref<80x128xi32, #tpu.memory_space<vmem>> -> memref<1x128xi32, #tpu.memory_space<vmem>>
    %dma_wait3A_50 = tpu.memref_squeeze %dma_wait3A_49 : memref<1x128xi32, #tpu.memory_space<vmem>> -> memref<128xi32, #tpu.memory_space<vmem>>
    %dma_wait3A_51 = arith.constant 0 : i32
    %dma_wait3A_52 = arith.constant 0 : i32
    %dma_wait3A_53 = tpu.memref_slice %arg2[%dma_wait3A_51, %dma_wait3A_52] : memref<10240x32xf32, #tpu.memory_space<hbm>> -> memref<10240x32xf32, #tpu.memory_space<hbm>>
    tpu.wait_indirect_dma semaphore(%arg15 : memref<!tpu.dma_semaphore, #tpu.memory_space<semaphore_mem>>) src(%dma_wait3A_53 : memref<10240x32xf32, #tpu.memory_space<hbm>>) dst(%arg9 : memref<128x32xf32, #tpu.memory_space<vmem>>)
    %run_scoped3A = arith.constant 75 : i32
    "tpu.region"() ({
      %run_scoped3A_94 = tpu.sem_alloc : memref<!tpu.dma_semaphore, #tpu.memory_space<semaphore_mem>>
      %dma_start3A_95 = arith.constant 0 : i32
      %dma_start3A_96 = tpu.memref_slice %arg8[%run_scoped3A, %dma_start3A_95] : memref<80x128xi32, #tpu.memory_space<vmem>> -> memref<1x128xi32, #tpu.memory_space<vmem>>
      %dma_start3A_97 = tpu.memref_squeeze %dma_start3A_96 : memref<1x128xi32, #tpu.memory_space<vmem>> -> memref<128xi32, #tpu.memory_space<vmem>>
      %dma_start3A_98 = arith.constant 0 : i32
      %dma_start3A_99 = arith.constant 0 : i32
      %dma_start3A_100 = tpu.memref_slice %arg14[%dma_start3A_98, %dma_start3A_99] : memref<10240x32xf32, #tpu.memory_space<vmem_shared>> -> memref<10240x32xf32, #tpu.memory_space<vmem_shared>>
      tpu.enqueue_indirect_dma source(%arg9 : memref<128x32xf32, #tpu.memory_space<vmem>>) target(%dma_start3A_100 : memref<10240x32xf32, #tpu.memory_space<vmem_shared>>) offsets(%dma_start3A_97 : memref<128xi32, #tpu.memory_space<vmem>>) semaphore(%run_scoped3A_94 : memref<!tpu.dma_semaphore, #tpu.memory_space<semaphore_mem>>) {add = true}
      %dma_wait3A_101 = arith.constant 0 : i32
      %dma_wait3A_102 = tpu.memref_slice %arg8[%run_scoped3A, %dma_wait3A_101] : memref<80x128xi32, #tpu.memory_space<vmem>> -> memref<1x128xi32, #tpu.memory_space<vmem>>
      %dma_wait3A_103 = tpu.memref_squeeze %dma_wait3A_102 : memref<1x128xi32, #tpu.memory_space<vmem>> -> memref<128xi32, #tpu.memory_space<vmem>>
      %dma_wait3A_104 = arith.constant 0 : i32
      %dma_wait3A_105 = arith.constant 0 : i32
      %dma_wait3A_106 = tpu.memref_slice %arg14[%dma_wait3A_104, %dma_wait3A_105] : memref<10240x32xf32, #tpu.memory_space<vmem_shared>> -> memref<10240x32xf32, #tpu.memory_space<vmem_shared>>
      tpu.wait_indirect_dma semaphore(%run_scoped3A_94 : memref<!tpu.dma_semaphore, #tpu.memory_space<semaphore_mem>>) src(%arg9 : memref<128x32xf32, #tpu.memory_space<vmem>>) dst(%dma_wait3A_106 : memref<10240x32xf32, #tpu.memory_space<vmem_shared>>)
      tpu.yield
    }) : () -> ()
    %dma_wait3A_54 = arith.constant 76 : i32
    %dma_wait3A_55 = arith.constant 0 : i32
    %dma_wait3A_56 = tpu.memref_slice %arg7[%dma_wait3A_54, %dma_wait3A_55] : memref<80x128xi32, #tpu.memory_space<vmem>> -> memref<1x128xi32, #tpu.memory_space<vmem>>
    %dma_wait3A_57 = tpu.memref_squeeze %dma_wait3A_56 : memref<1x128xi32, #tpu.memory_space<vmem>> -> memref<128xi32, #tpu.memory_space<vmem>>
    %dma_wait3A_58 = arith.constant 0 : i32
    %dma_wait3A_59 = arith.constant 0 : i32
    %dma_wait3A_60 = tpu.memref_slice %arg2[%dma_wait3A_58, %dma_wait3A_59] : memref<10240x32xf32, #tpu.memory_space<hbm>> -> memref<10240x32xf32, #tpu.memory_space<hbm>>
    tpu.wait_indirect_dma semaphore(%arg16 : memref<!tpu.dma_semaphore, #tpu.memory_space<semaphore_mem>>) src(%dma_wait3A_60 : memref<10240x32xf32, #tpu.memory_space<hbm>>) dst(%arg10 : memref<128x32xf32, #tpu.memory_space<vmem>>)
    %run_scoped3A_61 = arith.constant 76 : i32
    "tpu.region"() ({
      %run_scoped3A_94 = tpu.sem_alloc : memref<!tpu.dma_semaphore, #tpu.memory_space<semaphore_mem>>
      %dma_start3A_95 = arith.constant 0 : i32
      %dma_start3A_96 = tpu.memref_slice %arg8[%run_scoped3A_61, %dma_start3A_95] : memref<80x128xi32, #tpu.memory_space<vmem>> -> memref<1x128xi32, #tpu.memory_space<vmem>>
      %dma_start3A_97 = tpu.memref_squeeze %dma_start3A_96 : memref<1x128xi32, #tpu.memory_space<vmem>> -> memref<128xi32, #tpu.memory_space<vmem>>
      %dma_start3A_98 = arith.constant 0 : i32
      %dma_start3A_99 = arith.constant 0 : i32
      %dma_start3A_100 = tpu.memref_slice %arg14[%dma_start3A_98, %dma_start3A_99] : memref<10240x32xf32, #tpu.memory_space<vmem_shared>> -> memref<10240x32xf32, #tpu.memory_space<vmem_shared>>
      tpu.enqueue_indirect_dma source(%arg10 : memref<128x32xf32, #tpu.memory_space<vmem>>) target(%dma_start3A_100 : memref<10240x32xf32, #tpu.memory_space<vmem_shared>>) offsets(%dma_start3A_97 : memref<128xi32, #tpu.memory_space<vmem>>) semaphore(%run_scoped3A_94 : memref<!tpu.dma_semaphore, #tpu.memory_space<semaphore_mem>>) {add = true}
      %dma_wait3A_101 = arith.constant 0 : i32
      %dma_wait3A_102 = tpu.memref_slice %arg8[%run_scoped3A_61, %dma_wait3A_101] : memref<80x128xi32, #tpu.memory_space<vmem>> -> memref<1x128xi32, #tpu.memory_space<vmem>>
      %dma_wait3A_103 = tpu.memref_squeeze %dma_wait3A_102 : memref<1x128xi32, #tpu.memory_space<vmem>> -> memref<128xi32, #tpu.memory_space<vmem>>
      %dma_wait3A_104 = arith.constant 0 : i32
      %dma_wait3A_105 = arith.constant 0 : i32
      %dma_wait3A_106 = tpu.memref_slice %arg14[%dma_wait3A_104, %dma_wait3A_105] : memref<10240x32xf32, #tpu.memory_space<vmem_shared>> -> memref<10240x32xf32, #tpu.memory_space<vmem_shared>>
      tpu.wait_indirect_dma semaphore(%run_scoped3A_94 : memref<!tpu.dma_semaphore, #tpu.memory_space<semaphore_mem>>) src(%arg10 : memref<128x32xf32, #tpu.memory_space<vmem>>) dst(%dma_wait3A_106 : memref<10240x32xf32, #tpu.memory_space<vmem_shared>>)
      tpu.yield
    }) : () -> ()
    %dma_wait3A_62 = arith.constant 77 : i32
    %dma_wait3A_63 = arith.constant 0 : i32
    %dma_wait3A_64 = tpu.memref_slice %arg7[%dma_wait3A_62, %dma_wait3A_63] : memref<80x128xi32, #tpu.memory_space<vmem>> -> memref<1x128xi32, #tpu.memory_space<vmem>>
    %dma_wait3A_65 = tpu.memref_squeeze %dma_wait3A_64 : memref<1x128xi32, #tpu.memory_space<vmem>> -> memref<128xi32, #tpu.memory_space<vmem>>
    %dma_wait3A_66 = arith.constant 0 : i32
    %dma_wait3A_67 = arith.constant 0 : i32
    %dma_wait3A_68 = tpu.memref_slice %arg2[%dma_wait3A_66, %dma_wait3A_67] : memref<10240x32xf32, #tpu.memory_space<hbm>> -> memref<10240x32xf32, #tpu.memory_space<hbm>>
    tpu.wait_indirect_dma semaphore(%arg17 : memref<!tpu.dma_semaphore, #tpu.memory_space<semaphore_mem>>) src(%dma_wait3A_68 : memref<10240x32xf32, #tpu.memory_space<hbm>>) dst(%arg11 : memref<128x32xf32, #tpu.memory_space<vmem>>)
    %run_scoped3A_69 = arith.constant 77 : i32
    "tpu.region"() ({
      %run_scoped3A_94 = tpu.sem_alloc : memref<!tpu.dma_semaphore, #tpu.memory_space<semaphore_mem>>
      %dma_start3A_95 = arith.constant 0 : i32
      %dma_start3A_96 = tpu.memref_slice %arg8[%run_scoped3A_69, %dma_start3A_95] : memref<80x128xi32, #tpu.memory_space<vmem>> -> memref<1x128xi32, #tpu.memory_space<vmem>>
      %dma_start3A_97 = tpu.memref_squeeze %dma_start3A_96 : memref<1x128xi32, #tpu.memory_space<vmem>> -> memref<128xi32, #tpu.memory_space<vmem>>
      %dma_start3A_98 = arith.constant 0 : i32
      %dma_start3A_99 = arith.constant 0 : i32
      %dma_start3A_100 = tpu.memref_slice %arg14[%dma_start3A_98, %dma_start3A_99] : memref<10240x32xf32, #tpu.memory_space<vmem_shared>> -> memref<10240x32xf32, #tpu.memory_space<vmem_shared>>
      tpu.enqueue_indirect_dma source(%arg11 : memref<128x32xf32, #tpu.memory_space<vmem>>) target(%dma_start3A_100 : memref<10240x32xf32, #tpu.memory_space<vmem_shared>>) offsets(%dma_start3A_97 : memref<128xi32, #tpu.memory_space<vmem>>) semaphore(%run_scoped3A_94 : memref<!tpu.dma_semaphore, #tpu.memory_space<semaphore_mem>>) {add = true}
      %dma_wait3A_101 = arith.constant 0 : i32
      %dma_wait3A_102 = tpu.memref_slice %arg8[%run_scoped3A_69, %dma_wait3A_101] : memref<80x128xi32, #tpu.memory_space<vmem>> -> memref<1x128xi32, #tpu.memory_space<vmem>>
      %dma_wait3A_103 = tpu.memref_squeeze %dma_wait3A_102 : memref<1x128xi32, #tpu.memory_space<vmem>> -> memref<128xi32, #tpu.memory_space<vmem>>
      %dma_wait3A_104 = arith.constant 0 : i32
      %dma_wait3A_105 = arith.constant 0 : i32
      %dma_wait3A_106 = tpu.memref_slice %arg14[%dma_wait3A_104, %dma_wait3A_105] : memref<10240x32xf32, #tpu.memory_space<vmem_shared>> -> memref<10240x32xf32, #tpu.memory_space<vmem_shared>>
      tpu.wait_indirect_dma semaphore(%run_scoped3A_94 : memref<!tpu.dma_semaphore, #tpu.memory_space<semaphore_mem>>) src(%arg11 : memref<128x32xf32, #tpu.memory_space<vmem>>) dst(%dma_wait3A_106 : memref<10240x32xf32, #tpu.memory_space<vmem_shared>>)
      tpu.yield
    }) : () -> ()
    %dma_wait3A_70 = arith.constant 78 : i32
    %dma_wait3A_71 = arith.constant 0 : i32
    %dma_wait3A_72 = tpu.memref_slice %arg7[%dma_wait3A_70, %dma_wait3A_71] : memref<80x128xi32, #tpu.memory_space<vmem>> -> memref<1x128xi32, #tpu.memory_space<vmem>>
    %dma_wait3A_73 = tpu.memref_squeeze %dma_wait3A_72 : memref<1x128xi32, #tpu.memory_space<vmem>> -> memref<128xi32, #tpu.memory_space<vmem>>
    %dma_wait3A_74 = arith.constant 0 : i32
    %dma_wait3A_75 = arith.constant 0 : i32
    %dma_wait3A_76 = tpu.memref_slice %arg2[%dma_wait3A_74, %dma_wait3A_75] : memref<10240x32xf32, #tpu.memory_space<hbm>> -> memref<10240x32xf32, #tpu.memory_space<hbm>>
    tpu.wait_indirect_dma semaphore(%arg18 : memref<!tpu.dma_semaphore, #tpu.memory_space<semaphore_mem>>) src(%dma_wait3A_76 : memref<10240x32xf32, #tpu.memory_space<hbm>>) dst(%arg12 : memref<128x32xf32, #tpu.memory_space<vmem>>)
    %run_scoped3A_77 = arith.constant 78 : i32
    "tpu.region"() ({
      %run_scoped3A_94 = tpu.sem_alloc : memref<!tpu.dma_semaphore, #tpu.memory_space<semaphore_mem>>
      %dma_start3A_95 = arith.constant 0 : i32
      %dma_start3A_96 = tpu.memref_slice %arg8[%run_scoped3A_77, %dma_start3A_95] : memref<80x128xi32, #tpu.memory_space<vmem>> -> memref<1x128xi32, #tpu.memory_space<vmem>>
      %dma_start3A_97 = tpu.memref_squeeze %dma_start3A_96 : memref<1x128xi32, #tpu.memory_space<vmem>> -> memref<128xi32, #tpu.memory_space<vmem>>
      %dma_start3A_98 = arith.constant 0 : i32
      %dma_start3A_99 = arith.constant 0 : i32
      %dma_start3A_100 = tpu.memref_slice %arg14[%dma_start3A_98, %dma_start3A_99] : memref<10240x32xf32, #tpu.memory_space<vmem_shared>> -> memref<10240x32xf32, #tpu.memory_space<vmem_shared>>
      tpu.enqueue_indirect_dma source(%arg12 : memref<128x32xf32, #tpu.memory_space<vmem>>) target(%dma_start3A_100 : memref<10240x32xf32, #tpu.memory_space<vmem_shared>>) offsets(%dma_start3A_97 : memref<128xi32, #tpu.memory_space<vmem>>) semaphore(%run_scoped3A_94 : memref<!tpu.dma_semaphore, #tpu.memory_space<semaphore_mem>>) {add = true}
      %dma_wait3A_101 = arith.constant 0 : i32
      %dma_wait3A_102 = tpu.memref_slice %arg8[%run_scoped3A_77, %dma_wait3A_101] : memref<80x128xi32, #tpu.memory_space<vmem>> -> memref<1x128xi32, #tpu.memory_space<vmem>>
      %dma_wait3A_103 = tpu.memref_squeeze %dma_wait3A_102 : memref<1x128xi32, #tpu.memory_space<vmem>> -> memref<128xi32, #tpu.memory_space<vmem>>
      %dma_wait3A_104 = arith.constant 0 : i32
      %dma_wait3A_105 = arith.constant 0 : i32
      %dma_wait3A_106 = tpu.memref_slice %arg14[%dma_wait3A_104, %dma_wait3A_105] : memref<10240x32xf32, #tpu.memory_space<vmem_shared>> -> memref<10240x32xf32, #tpu.memory_space<vmem_shared>>
      tpu.wait_indirect_dma semaphore(%run_scoped3A_94 : memref<!tpu.dma_semaphore, #tpu.memory_space<semaphore_mem>>) src(%arg12 : memref<128x32xf32, #tpu.memory_space<vmem>>) dst(%dma_wait3A_106 : memref<10240x32xf32, #tpu.memory_space<vmem_shared>>)
      tpu.yield
    }) : () -> ()
    %dma_wait3A_78 = arith.constant 79 : i32
    %dma_wait3A_79 = arith.constant 0 : i32
    %dma_wait3A_80 = tpu.memref_slice %arg7[%dma_wait3A_78, %dma_wait3A_79] : memref<80x128xi32, #tpu.memory_space<vmem>> -> memref<1x128xi32, #tpu.memory_space<vmem>>
    %dma_wait3A_81 = tpu.memref_squeeze %dma_wait3A_80 : memref<1x128xi32, #tpu.memory_space<vmem>> -> memref<128xi32, #tpu.memory_space<vmem>>
    %dma_wait3A_82 = arith.constant 0 : i32
    %dma_wait3A_83 = arith.constant 0 : i32
    %dma_wait3A_84 = tpu.memref_slice %arg2[%dma_wait3A_82, %dma_wait3A_83] : memref<10240x32xf32, #tpu.memory_space<hbm>> -> memref<10240x32xf32, #tpu.memory_space<hbm>>
    tpu.wait_indirect_dma semaphore(%arg19 : memref<!tpu.dma_semaphore, #tpu.memory_space<semaphore_mem>>) src(%dma_wait3A_84 : memref<10240x32xf32, #tpu.memory_space<hbm>>) dst(%arg13 : memref<128x32xf32, #tpu.memory_space<vmem>>)
    %run_scoped3A_85 = arith.constant 79 : i32
    "tpu.region"() ({
      %run_scoped3A_94 = tpu.sem_alloc : memref<!tpu.dma_semaphore, #tpu.memory_space<semaphore_mem>>
      %dma_start3A_95 = arith.constant 0 : i32
      %dma_start3A_96 = tpu.memref_slice %arg8[%run_scoped3A_85, %dma_start3A_95] : memref<80x128xi32, #tpu.memory_space<vmem>> -> memref<1x128xi32, #tpu.memory_space<vmem>>
      %dma_start3A_97 = tpu.memref_squeeze %dma_start3A_96 : memref<1x128xi32, #tpu.memory_space<vmem>> -> memref<128xi32, #tpu.memory_space<vmem>>
      %dma_start3A_98 = arith.constant 0 : i32
      %dma_start3A_99 = arith.constant 0 : i32
      %dma_start3A_100 = tpu.memref_slice %arg14[%dma_start3A_98, %dma_start3A_99] : memref<10240x32xf32, #tpu.memory_space<vmem_shared>> -> memref<10240x32xf32, #tpu.memory_space<vmem_shared>>
      tpu.enqueue_indirect_dma source(%arg13 : memref<128x32xf32, #tpu.memory_space<vmem>>) target(%dma_start3A_100 : memref<10240x32xf32, #tpu.memory_space<vmem_shared>>) offsets(%dma_start3A_97 : memref<128xi32, #tpu.memory_space<vmem>>) semaphore(%run_scoped3A_94 : memref<!tpu.dma_semaphore, #tpu.memory_space<semaphore_mem>>) {add = true}
      %dma_wait3A_101 = arith.constant 0 : i32
      %dma_wait3A_102 = tpu.memref_slice %arg8[%run_scoped3A_85, %dma_wait3A_101] : memref<80x128xi32, #tpu.memory_space<vmem>> -> memref<1x128xi32, #tpu.memory_space<vmem>>
      %dma_wait3A_103 = tpu.memref_squeeze %dma_wait3A_102 : memref<1x128xi32, #tpu.memory_space<vmem>> -> memref<128xi32, #tpu.memory_space<vmem>>
      %dma_wait3A_104 = arith.constant 0 : i32
      %dma_wait3A_105 = arith.constant 0 : i32
      %dma_wait3A_106 = tpu.memref_slice %arg14[%dma_wait3A_104, %dma_wait3A_105] : memref<10240x32xf32, #tpu.memory_space<vmem_shared>> -> memref<10240x32xf32, #tpu.memory_space<vmem_shared>>
      tpu.wait_indirect_dma semaphore(%run_scoped3A_94 : memref<!tpu.dma_semaphore, #tpu.memory_space<semaphore_mem>>) src(%arg13 : memref<128x32xf32, #tpu.memory_space<vmem>>) dst(%dma_wait3A_106 : memref<10240x32xf32, #tpu.memory_space<vmem_shared>>)
      tpu.yield
    }) : () -> ()
    %barrier3A_86 = arith.constant 0 : index
    tpu.barrier barrier_id(%barrier3A_86)
    %mul3A_87 = arith.constant 640 : i32
    %mul3A_88 = arith.muli %arg1, %mul3A_87 : i32
    %mul3A_89 = arith.constant 10240 : i32
    %mul3A_90 = arith.muli %arg0, %mul3A_89 : i32
    %mul3A_91 = arith.constant 640 : i32
    %mul3A_92 = arith.muli %arg1, %mul3A_91 : i32
    %add3A_93 = arith.addi %mul3A_90, %mul3A_92 : i32
    "tpu.region"() ({
      %run_scoped3A_94 = tpu.sem_alloc : memref<!tpu.dma_semaphore, #tpu.memory_space<semaphore_mem>>
      %dma_start3A_95 = arith.constant 0 : i32
      %dma_start3A_96 = tpu.memref_slice %arg6[%add3A_93, %dma_start3A_95] : memref<20480x32xf32, #tpu.memory_space<hbm>> -> memref<640x32xf32, #tpu.memory_space<hbm>>
      %dma_start3A_97 = arith.constant 0 : i32
      %dma_start3A_98 = tpu.memref_slice %arg14[%mul3A_88, %dma_start3A_97] : memref<10240x32xf32, #tpu.memory_space<vmem_shared>> -> memref<640x32xf32, #tpu.memory_space<vmem_shared>>
      tpu.enqueue_dma source(%dma_start3A_98 : memref<640x32xf32, #tpu.memory_space<vmem_shared>>) target(%dma_start3A_96 : memref<640x32xf32, #tpu.memory_space<hbm>>) target_semaphore(%run_scoped3A_94 : memref<!tpu.dma_semaphore, #tpu.memory_space<semaphore_mem>>)
      %dma_wait3A_99 = arith.constant 0 : i32
      %dma_wait3A_100 = tpu.memref_slice %arg6[%add3A_93, %dma_wait3A_99] : memref<20480x32xf32, #tpu.memory_space<hbm>> -> memref<640x32xf32, #tpu.memory_space<hbm>>
      %dma_wait3A_101 = arith.constant 0 : i32
      %dma_wait3A_102 = tpu.memref_slice %arg14[%mul3A_88, %dma_wait3A_101] : memref<10240x32xf32, #tpu.memory_space<vmem_shared>> -> memref<640x32xf32, #tpu.memory_space<vmem_shared>>
      tpu.wait_dma2 semaphore(%run_scoped3A_94 : memref<!tpu.dma_semaphore, #tpu.memory_space<semaphore_mem>>) src(%dma_wait3A_102 : memref<640x32xf32, #tpu.memory_space<vmem_shared>>) dst(%dma_wait3A_100 : memref<640x32xf32, #tpu.memory_space<hbm>>)
      tpu.yield
    }) : () -> ()
    return
  }
}

module attributes {stable_mosaic.version = 14 : i64} {
  func.func @_k1_body(%arg0: memref<2x10240x1xf32, #tpu.memory_space<vmem>>, %arg1: memref<10240x128xf32, #tpu.memory_space<vmem>>, %arg2: memref<128x32xf32, #tpu.memory_space<vmem>>, %arg3: memref<10240x32xf32, #tpu.memory_space<vmem>>, %arg4: memref<10240x1xf32, #tpu.memory_space<vmem>>) attributes {dimension_semantics = [], scalar_prefetch = 0 : i64, scratch_operands = 0 : i64, tpu.core_type = #tpu.core_type<tc>} {
    %get3A = arith.constant 0 : index
    %get3A_0 = arith.constant 0 : index
    %get3A_1 = arith.constant 0 : index
    %get3A_2 = vector.load %arg0[%get3A, %get3A_0, %get3A_1] : memref<2x10240x1xf32, #tpu.memory_space<vmem>>, vector<2x10240x1xf32>
    %slice3A = vector.extract_strided_slice %get3A_2 {offsets = [0, 0, 0], sizes = [1, 10240, 1], strides = [1, 1, 1]} : vector<2x10240x1xf32> to vector<1x10240x1xf32>
    %squeeze3A = vector.shape_cast %slice3A : vector<1x10240x1xf32> to vector<10240x1xf32>
    %slice3A_3 = vector.extract_strided_slice %get3A_2 {offsets = [1, 0, 0], sizes = [1, 10240, 1], strides = [1, 1, 1]} : vector<2x10240x1xf32> to vector<1x10240x1xf32>
    %squeeze3A_4 = vector.shape_cast %slice3A_3 : vector<1x10240x1xf32> to vector<10240x1xf32>
    %add3A = arith.addf %squeeze3A, %squeeze3A_4 : vector<10240x1xf32>
    %add3A_5 = arith.constant 1.000000e+00 : f32
    %add3A_6 = vector.broadcast %add3A_5 : f32 to vector<10240x1xf32>
    %add3A_7 = arith.addf %add3A, %add3A_6 : vector<10240x1xf32>
    %rsqrt3A = math.rsqrt %add3A_7 : vector<10240x1xf32>
    %get3A_8 = arith.constant 0 : index
    %get3A_9 = arith.constant 0 : index
    %get3A_10 = vector.load %arg1[%get3A_8, %get3A_9] : memref<10240x128xf32, #tpu.memory_space<vmem>>, vector<10240x128xf32>
    %get3A_11 = arith.constant 0 : index
    %get3A_12 = arith.constant 0 : index
    %get3A_13 = vector.load %arg2[%get3A_11, %get3A_12] : memref<128x32xf32, #tpu.memory_space<vmem>>, vector<128x32xf32>
    %dot_general3A = arith.constant dense<0.000000e+00> : vector<10240x32xf32>
    %dot_general3A_14 = tpu.matmul %get3A_10, %get3A_13, %dot_general3A {dimension_numbers = #tpu.dot_dimension_numbers<[1], [0], [0], [1], [0, 0, 1, 1], [], []>, transpose_lhs_hint = false} : vector<10240x128xf32>, vector<128x32xf32>, vector<10240x32xf32> -> vector<10240x32xf32>
    %mul3A = vector.broadcast %rsqrt3A : vector<10240x1xf32> to vector<10240x32xf32>
    %mul3A_15 = arith.mulf %dot_general3A_14, %mul3A : vector<10240x32xf32>
    %swap3A = arith.constant 0 : index
    %swap3A_16 = arith.constant 0 : index
    %swap3A_17 = vector.load %arg3[%swap3A, %swap3A_16] : memref<10240x32xf32, #tpu.memory_space<vmem>>, vector<10240x32xf32>
    tpu.vector_store %arg3[%swap3A, %swap3A_16], %mul3A_15 {strides = array<i32>} : memref<10240x32xf32, #tpu.memory_space<vmem>>, vector<10240x32xf32>,
    %swap3A_18 = arith.constant 0 : index
    %swap3A_19 = arith.constant 0 : index
    %swap3A_20 = vector.load %arg4[%swap3A_18, %swap3A_19] : memref<10240x1xf32, #tpu.memory_space<vmem>>, vector<10240x1xf32>
    tpu.vector_store %arg4[%swap3A_18, %swap3A_19], %rsqrt3A {strides = array<i32>} : memref<10240x1xf32, #tpu.memory_space<vmem>>, vector<10240x1xf32>,
    return
  }
}

module attributes {stable_mosaic.version = 14 : i64} {
  func.func @_k2_body(%arg0: memref<2x10240x32xf32, #tpu.memory_space<vmem>>, %arg1: memref<10240x32xf32, #tpu.memory_space<vmem>>, %arg2: memref<10240x1xf32, #tpu.memory_space<vmem>>, %arg3: memref<1x32xf32, #tpu.memory_space<vmem>>, %arg4: memref<32x16xf32, #tpu.memory_space<vmem>>, %arg5: memref<10240x16xf32, #tpu.memory_space<vmem>>) attributes {dimension_semantics = [], scalar_prefetch = 0 : i64, scratch_operands = 0 : i64, tpu.core_type = #tpu.core_type<tc>} {
    %get3A = arith.constant 0 : index
    %get3A_0 = arith.constant 0 : index
    %get3A_1 = arith.constant 0 : index
    %get3A_2 = vector.load %arg0[%get3A, %get3A_0, %get3A_1] : memref<2x10240x32xf32, #tpu.memory_space<vmem>>, vector<2x10240x32xf32>
    %get3A_3 = arith.constant 0 : index
    %get3A_4 = arith.constant 0 : index
    %get3A_5 = vector.load %arg2[%get3A_3, %get3A_4] : memref<10240x1xf32, #tpu.memory_space<vmem>>, vector<10240x1xf32>
    %slice3A = vector.extract_strided_slice %get3A_2 {offsets = [0, 0, 0], sizes = [1, 10240, 32], strides = [1, 1, 1]} : vector<2x10240x32xf32> to vector<1x10240x32xf32>
    %squeeze3A = vector.shape_cast %slice3A : vector<1x10240x32xf32> to vector<10240x32xf32>
    %slice3A_6 = vector.extract_strided_slice %get3A_2 {offsets = [1, 0, 0], sizes = [1, 10240, 32], strides = [1, 1, 1]} : vector<2x10240x32xf32> to vector<1x10240x32xf32>
    %squeeze3A_7 = vector.shape_cast %slice3A_6 : vector<1x10240x32xf32> to vector<10240x32xf32>
    %add3A = arith.addf %squeeze3A, %squeeze3A_7 : vector<10240x32xf32>
    %get3A_8 = arith.constant 0 : index
    %get3A_9 = arith.constant 0 : index
    %get3A_10 = vector.load %arg1[%get3A_8, %get3A_9] : memref<10240x32xf32, #tpu.memory_space<vmem>>, vector<10240x32xf32>
    %add3A_11 = arith.addf %add3A, %get3A_10 : vector<10240x32xf32>
    %mul3A = vector.broadcast %get3A_5 : vector<10240x1xf32> to vector<10240x32xf32>
    %mul3A_12 = arith.mulf %add3A_11, %mul3A : vector<10240x32xf32>
    %get3A_13 = arith.constant 0 : index
    %get3A_14 = arith.constant 0 : index
    %get3A_15 = vector.load %arg3[%get3A_13, %get3A_14] : memref<1x32xf32, #tpu.memory_space<vmem>>, vector<1x32xf32>
    %add3A_16 = vector.broadcast %get3A_15 : vector<1x32xf32> to vector<10240x32xf32>
    %add3A_17 = arith.addf %mul3A_12, %add3A_16 : vector<10240x32xf32>
    %max3A = arith.constant 0.000000e+00 : f32
    %max3A_18 = vector.broadcast %max3A : f32 to vector<10240x32xf32>
    %max3A_19 = arith.maximumf %add3A_17, %max3A_18 : vector<10240x32xf32>
    %get3A_20 = arith.constant 0 : index
    %get3A_21 = arith.constant 0 : index
    %get3A_22 = vector.load %arg4[%get3A_20, %get3A_21] : memref<32x16xf32, #tpu.memory_space<vmem>>, vector<32x16xf32>
    %dot_general3A = arith.constant dense<0.000000e+00> : vector<10240x16xf32>
    %dot_general3A_23 = tpu.matmul %max3A_19, %get3A_22, %dot_general3A {dimension_numbers = #tpu.dot_dimension_numbers<[1], [0], [0], [1], [0, 0, 1, 1], [], []>, transpose_lhs_hint = false} : vector<10240x32xf32>, vector<32x16xf32>, vector<10240x16xf32> -> vector<10240x16xf32>
    %mul3A_24 = vector.broadcast %get3A_5 : vector<10240x1xf32> to vector<10240x16xf32>
    %mul3A_25 = arith.mulf %dot_general3A_23, %mul3A_24 : vector<10240x16xf32>
    %swap3A = arith.constant 0 : index
    %swap3A_26 = arith.constant 0 : index
    %swap3A_27 = vector.load %arg5[%swap3A, %swap3A_26] : memref<10240x16xf32, #tpu.memory_space<vmem>>, vector<10240x16xf32>
    tpu.vector_store %arg5[%swap3A, %swap3A_26], %mul3A_25 {strides = array<i32>} : memref<10240x16xf32, #tpu.memory_space<vmem>>, vector<10240x16xf32>,
    return
  }
}

module attributes {stable_mosaic.version = 14 : i64} {
  func.func @_k3_body(%arg0: memref<2x10240x16xf32, #tpu.memory_space<vmem>>, %arg1: memref<10240x16xf32, #tpu.memory_space<vmem>>, %arg2: memref<10240x1xf32, #tpu.memory_space<vmem>>, %arg3: memref<1x16xf32, #tpu.memory_space<vmem>>, %arg4: memref<10240x16xf32, #tpu.memory_space<vmem>>) attributes {dimension_semantics = [], scalar_prefetch = 0 : i64, scratch_operands = 0 : i64, tpu.core_type = #tpu.core_type<tc>} {
    %get3A = arith.constant 0 : index
    %get3A_0 = arith.constant 0 : index
    %get3A_1 = arith.constant 0 : index
    %get3A_2 = vector.load %arg0[%get3A, %get3A_0, %get3A_1] : memref<2x10240x16xf32, #tpu.memory_space<vmem>>, vector<2x10240x16xf32>
    %slice3A = vector.extract_strided_slice %get3A_2 {offsets = [0, 0, 0], sizes = [1, 10240, 16], strides = [1, 1, 1]} : vector<2x10240x16xf32> to vector<1x10240x16xf32>
    %squeeze3A = vector.shape_cast %slice3A : vector<1x10240x16xf32> to vector<10240x16xf32>
    %slice3A_3 = vector.extract_strided_slice %get3A_2 {offsets = [1, 0, 0], sizes = [1, 10240, 16], strides = [1, 1, 1]} : vector<2x10240x16xf32> to vector<1x10240x16xf32>
    %squeeze3A_4 = vector.shape_cast %slice3A_3 : vector<1x10240x16xf32> to vector<10240x16xf32>
    %add3A = arith.addf %squeeze3A, %squeeze3A_4 : vector<10240x16xf32>
    %get3A_5 = arith.constant 0 : index
    %get3A_6 = arith.constant 0 : index
    %get3A_7 = vector.load %arg1[%get3A_5, %get3A_6] : memref<10240x16xf32, #tpu.memory_space<vmem>>, vector<10240x16xf32>
    %add3A_8 = arith.addf %add3A, %get3A_7 : vector<10240x16xf32>
    %get3A_9 = arith.constant 0 : index
    %get3A_10 = arith.constant 0 : index
    %get3A_11 = vector.load %arg2[%get3A_9, %get3A_10] : memref<10240x1xf32, #tpu.memory_space<vmem>>, vector<10240x1xf32>
    %mul3A = vector.broadcast %get3A_11 : vector<10240x1xf32> to vector<10240x16xf32>
    %mul3A_12 = arith.mulf %add3A_8, %mul3A : vector<10240x16xf32>
    %get3A_13 = arith.constant 0 : index
    %get3A_14 = arith.constant 0 : index
    %get3A_15 = vector.load %arg3[%get3A_13, %get3A_14] : memref<1x16xf32, #tpu.memory_space<vmem>>, vector<1x16xf32>
    %add3A_16 = vector.broadcast %get3A_15 : vector<1x16xf32> to vector<10240x16xf32>
    %add3A_17 = arith.addf %mul3A_12, %add3A_16 : vector<10240x16xf32>
    %swap3A = arith.constant 0 : index
    %swap3A_18 = arith.constant 0 : index
    %swap3A_19 = vector.load %arg4[%swap3A, %swap3A_18] : memref<10240x16xf32, #tpu.memory_space<vmem>>, vector<10240x16xf32>
    tpu.vector_store %arg4[%swap3A, %swap3A_18], %add3A_17 {strides = array<i32>} : memref<10240x16xf32, #tpu.memory_space<vmem>>, vector<10240x16xf32>,
    return
  }
}

</mosaic_0001>

<sc_bundles>
// kernel: kernel.11.cloned.1.call-start
scs
__scs_entry_jumppad:
0x0: {  	(pc) =	sbr.rel $0x88, $3  }
0x1: {  	(tag) =	ssettag $0x0;
	lr =	simm.s32 $0x1  }
0x2: {  	[smem:$0x3F9B] =	sst lr;
	_ =	strace $0xD0000000  }
0x3: {  	_ = 	snop  }
0x4: {  	_ = 	snop  }
0x5: {  	_ = 	snop  }
0x6: {  	_ = 	snop  }
0x7: {  	_ = 	snop  }
__scs_overlays_trampoline_lowered:
0x8: {  	[smem:$0x3FAA] =	sst s0  }
0x9: {  	[smem:$0x3FAB] =	sst s1  }
0xa: {  	[smem:$0x3FAC] =	sst s2  }
0xb: {  	[smem:$0x3FAD] =	sst s3  }
0xc: {  	[smem:$0x3FAE] =	sst s4  }
0xd: {  	[smem:$0x3FAF] =	sst s5  }
0xe: {  	[smem:$0x3FB0] =	sst s6  }
0xf: {  	[smem:$0x3FB1] =	sst s7  }
0x10: {  	[smem:$0x3FB2] =	sst s8  }
0x11: {  	[smem:$0x3FB3] =	sst s9;
	s0 =	simm.s32 @!p0 $0x0  }
0x12: {  	s1 =	sld [smem:$0x3F99];
	s0 =	simm.s32 @p0 $0x1  }
0x13: {  	[smem:$0x3FB4] =	sst s0;
	s0 =	simm.s32 @!p1 $0x0  }
0x14: {  	s2 =	sld [smem:$0x3F98];
	s0 =	simm.s32 @p1 $0x1  }
0x15: {  	[smem:$0x3FB5] =	sst s0;
	s0 =	simm.s32 @!p2 $0x0  }
0x16: {  	s3 =	sld [smem:$0x3FDB];
	s0 =	simm.s32 @p2 $0x1  }
0x17: {  	s4 =	simm.s32 $0x1BF5;
	[smem:$0x3FB7] =	sst s0  }
0x18: {  	s0 =	sld [smem:$0x3F9A];
	_ =	swait.ge [sflag:s4], $0x0  }
0x19: {  	s7 =	sld [smem:$0x3F9B]  }
0x1a: {  	s8 =	sadd.s32 $0xFFFFE003, lr  }
0x1b: {  	s9 =	sadd.s32 $0xFFFFFEF7, lr;
	s5 =	simm.s32 $0xFFFFFFFF;
	p2 =	slt.u32 s8, $0xFFFFF086  }
0x1c: {  	p1 =	slt.u32 s9, $0xF7A;
	s5 =	simm.s32 @!p2 $0x0  }
0x1d: {  	s5 =	simm.s32 @p1 $0x1;
	p0 =	seq.s32 s7, s2  }
0x1e: {  	s7 =	smul.u32 @!p0 $0xF7A, s2;
	p2 =	seq.s32 @!p0 s5, $0x0  }
0x1f: {  	s9 =	smul.u32 $0xF7A, s1;
	s8 =	simm.s32 @!p0 $0x1BF5;
	p2 =	por !p2, p0  }
0x20: {  	[sflag:s8] =	ssyncset.s32 @!p0 $0xFFFFF086;
	s6 =	sadd.s32 @!p0 s3, s7;
	s7 =	simm.s32 @!p0 $0x108  }
0x21: {  	s3 =	sadd.s32 s3, s9;
	s6 =	sadd.s32 @!p0 $0x88, s6;
	s7 =	simm.s32 @p2 $0x1082  }
0x22: {  	[simem:s7], [sflag:s8] =	dma.local @!p0 [hbm:s6], $0xF7A  }
0x23: {  	s9 =	sor.u32 $0xD0000000, s2;
	s6 =	simm.s32 $0x108;
	_ =	swait.ge @!p0 [sflag:s8], $0x0  }
0x24: {  	s3 =	sadd.s32 $0x88, s3;
	s6 =	simm.s32 @!p1 $0x1082;
	[sflag:s4] =	ssyncset.s32 $0xFFFFF086  }
0x25: {  	[simem:s6], [sflag:s4] =	dma.local [hbm:s3], $0xF7A  }
0x26: {  	[smem:$0x3F9B] =	sst s1;
	(tag) =	ssettag s2;
	_ =	strace s9  }
0x27: {  	s1 =	sld [smem:$0x3FAB]  }
0x28: {  	s2 =	sld [smem:$0x3FAC]  }
0x29: {  	s4 =	sld [smem:$0x3FAE]  }
0x2a: {  	p0 =	seq.s32 s5, $0x0;
	s5 =	sld [smem:$0x3FAF]  }
0x2b: {  	s6 =	sld [smem:$0x3FB0]  }
0x2c: {  	s7 =	sld [smem:$0x3FB1]  }
0x2d: {  	s3 =	simm.s32 $0x108;
	s8 =	sld [smem:$0x3FB2]  }
0x2e: {  	s3 =	simm.s32 @!p0 $0x1082;
	s9 =	sld [smem:$0x3FB3]  }
0x2f: {  	lr =	sadd.s32 s0, s3;
	s0 =	sld [smem:$0x3FAA]  }
0x30: {  	s3 =	sld [smem:$0x3FAD]  }
0x31: {  	[smem:$0x3FB6] =	sst s10  }
0x32: {  	s10 =	sld [smem:$0x3FB4];
	_ =	sdelay $0x3  }
0x33: {  	p0 =	seq.s32 s10, $0x1;
	s10 =	sld [smem:$0x3FB6];
	_ =	sdelay $0x3  }
0x34: {  	[smem:$0x3FB6] =	sst s10  }
0x35: {  	s10 =	sld [smem:$0x3FB5];
	_ =	sdelay $0x3  }
0x36: {  	p1 =	seq.s32 s10, $0x1;
	s10 =	sld [smem:$0x3FB6];
	_ =	sdelay $0x3  }
0x37: {  	[smem:$0x3FB6] =	sst s10  }
0x38: {  	s10 =	sld [smem:$0x3FB7]  }
0x39: {  	_ = 	snop;
	(pc) =	sbr.ind lr, $3  }
0x3a: {  	_ = 	snop  }
0x3b: {  	_ = 	snop  }
0x3c: {  	p2 =	seq.s32 s10, $0x1;
	s10 =	sld [smem:$0x3FB6]  }
0x3d: {  	_ =	shalt  }
0x3e: {  	_ =	shalt  }
0x3f: {  	_ =	shalt  }
0x40: {  	_ =	shalt  }
0x41: {  	_ =	shalt  }
0x42: {  	_ =	shalt  }
0x43: {  	_ =	shalt  }
0x44: {  	_ =	shalt  }
0x45: {  	_ =	shalt  }
0x46: {  	_ =	shalt  }
0x47: {  	_ =	shalt  }
0x48: {  	_ =	shalt  }
0x49: {  	_ =	shalt  }
0x4a: {  	_ =	shalt  }
0x4b: {  	_ =	shalt  }
0x4c: {  	_ =	shalt  }
0x4d: {  	_ =	shalt  }
0x4e: {  	_ =	shalt  }
0x4f: {  	_ =	shalt  }
0x50: {  	_ =	shalt  }
0x51: {  	_ =	shalt  }
0x52: {  	_ =	shalt  }
0x53: {  	_ =	shalt  }
0x54: {  	_ =	shalt  }
0x55: {  	_ =	shalt  }
0x56: {  	_ =	shalt  }
0x57: {  	_ =	shalt  }
0x58: {  	_ =	shalt  }
0x59: {  	_ =	shalt  }
0x5a: {  	_ =	shalt  }
0x5b: {  	_ =	shalt  }
0x5c: {  	_ =	shalt  }
0x5d: {  	_ =	shalt  }
0x5e: {  	_ =	shalt  }
0x5f: {  	_ =	shalt  }
0x60: {  	_ =	shalt  }
0x61: {  	_ =	shalt  }
0x62: {  	_ =	shalt  }
0x63: {  	_ =	shalt  }
0x64: {  	_ =	shalt  }
0x65: {  	_ =	shalt  }
0x66: {  	_ =	shalt  }
0x67: {  	_ =	shalt  }
0x68: {  	_ =	shalt  }
0x69: {  	_ =	shalt  }
0x6a: {  	_ =	shalt  }
0x6b: {  	_ =	shalt  }
0x6c: {  	_ =	shalt  }
0x6d: {  	_ =	shalt  }
0x6e: {  	_ =	shalt  }
0x6f: {  	_ =	shalt  }
0x70: {  	_ =	shalt  }
0x71: {  	_ =	shalt  }
0x72: {  	_ =	shalt  }
0x73: {  	_ =	shalt  }
0x74: {  	_ =	shalt  }
0x75: {  	_ =	shalt  }
0x76: {  	_ =	shalt  }
0x77: {  	_ =	shalt  }
0x78: {  	_ =	shalt  }
0x79: {  	_ =	shalt  }
0x7a: {  	_ =	shalt  }
0x7b: {  	_ =	shalt  }
0x7c: {  	_ =	shalt  }
0x7d: {  	_ =	shalt  }
0x7e: {  	_ =	shalt  }
0x7f: {  	_ =	shalt  }
0x80: {  	_ =	shalt  }
0x81: {  	_ =	shalt  }
0x82: {  	_ =	shalt  }
0x83: {  	_ =	shalt  }
0x84: {  	_ =	shalt  }
0x85: {  	_ =	shalt  }
0x86: {  	_ =	shalt  }
0x87: {  	_ =	shalt  }
.Lfunc_end0:
.L_simem_size_0:
called_computation.1_lowered:
.L_overlay_start_0:
0x88: {  	s2 =	sld [smem:$0x3FD9]  }
0x89: {  	s3 =	sld [smem:$0x3FFE];
	_ =	sdelay $0x1  }
0x8a: {  	s1 =	srdreg.scid  }
0x8b: {  	s0 =	sand.u32 $0x1, s1  }
0x8c: {  	s16 =	sshll.u32 s0, $0xA;
	s2 =	sadd.s32 s3, s2  }
0x8d: {  	s2 =	sadd.s32 s2, s16  }
0x8e: {  	[smem:$0x3FC2] =	sst s2  }
0x8f: {  	_ = 	snop  }
0x90: {  	(tm) =	ssettm $0x1  }
0x91: {  	s17 =	sld [smem:$0x3FFB];
	_ =	sdelay $0x3  }
0x92: {  	_ =	strace s17  }
0x93: {  	s2 =	sld [smem:$0x3FFC];
	_ =	sdelay $0x3  }
0x94: {  	_ =	strace s2  }
0x95: {  	s2 =	sld [smem:$0x3FFD];
	_ =	sdelay $0x3  }
0x96: {  	_ =	strace s2  }
0x97: {  	_ =	strace $0x8FFFFFFF  }
0x98: {  	s18 =	sld [smem:$0x3FDB];
	_ =	sdelay $0x1  }
0x99: {  	s19 =	simm.s32 $_scs_section_size  }
0x9a: {  	s4 =	simm.s32 $_size__tile_overlayer_lowered;
	s5 =	simm.s32 $_tile_overlayer_lowered  }
0x9b: {  	s22 =	simm.s32 $0x1BFF;
	s21 =	sshll.u32 s5, $0x1;
	s2 =	sadd.s32 s19, s18  }
0x9c: {  	s6 =	simm.s32 $0x0;
	s20 =	sshll.u32 s4, $0x1;
	s4 =	sadd.s32 s21, s2  }
0x9d: {  	[timem:s6], [sflag:s22] =	dma.local [hbm:s4], s20  }
0x9e: {  	_ =	swait.ge [sflag:s22], s20  }
0x9f: {  	s3 =	ssub.s32 $0x0, s20;
	[sflag:s22] =	ssyncset.done $0x0  }
0xa0: {  	[sflag:s22] =	ssyncadd.s32 s3;
	_ =	sdelay $0x1  }
0xa1: {  	s23 =	simm.s32 $0x1B8B  }
0xa2: {  	_ =	swait.ge [sflag:s23], $0x1  }
0xa3: {  	[sflag:s23] =	ssyncset.done $0x0  }
0xa4: {  	s25 =	simm.s32 $0x1B8E;
	s24 =	sld [smem:$0x3FFE];
	[sflag:s23] =	ssyncadd.s32 $0xFFFFFFFF  }
0xa5: {  	s26 =	simm.s32 $execute0_lowered;
	[smem:$0x3FD2] =	sst s25  }
0xa6: {  	s4 =	sshll.u32 s26, $0x1;
	_ =	strace $0x80000049;
	[dreg:$0x1] =	wrdreg $0xFFFFFFFF  }
0xa7: {  	s28 =	simm.s32 $_size_execute0_lowered;
	s2 =	sadd.s32 s2, s4;
	[dreg:$0x0] =	wrdreg $0x0  }
0xa8: {  	s4 =	sshll.u32 s28, $0x1;
	[dreg:$0x2] =	wrdreg s2  }
0xa9: {  	[dreg:$0x3] =	wrdreg s4  }
0xaa: {  	[dreg:$0x4] =	wrdreg $0xC0  }
0xab: {  	_ =	task [dreg:s6], $0x5FFFF  }
0xac: {  	[dreg:$0x1] =	wrdreg $0xFFFFFFFF  }
0xad: {  	[dreg:$0x0] =	wrdreg $0x60  }
0xae: {  	[dreg:$0x2] =	wrdreg s24  }
0xaf: {  	[dreg:$0x3] =	wrdreg $0xA0000  }
0xb0: {  	[dreg:$0x4] =	wrdreg $0x9  }
0xb1: {  	_ =	task.clear_ibuf [dreg:s6], $0x5FFFF;
	_ =	strace $0x90000049  }
0xb2: {  	s29 =	simm.s32 $0x9;
	_ =	strace $0x8000004B  }
0xb3: {  	_ =	swait.ge [sflag:s29], $0x1  }
0xb4: {  	[sflag:s29] =	ssyncadd.s32 $0xFFFFFFFF  }
0xb5: {  	_ =	strace $0x9000004B  }
0xb6: {  	_ =	sfence  }
0xb7: {  	s30 =	sld [smem:$0x0];
	_ =	sdelay $0x2  }
0xb8: {  	s31 =	sshll.u32 s1, $0xD;
	s1 =	sshrl.u32 s1, $0x2  }
0xb9: {  	s3 =	sand.u32 $0x4000, s31;
	s1 =	sadd.s32 s1, s30  }
0xba: {  	s0 =	sor.u32 s3, s0;
	s1 =	sshll.u32 s1, $0x11  }
0xbb: {  	s0 =	sor.u32 s1, s0  }
0xbc: {  	s0 =	sadd.s32 $0x8F2B, s0  }
0xbd: {  	[sflag:s0] =	ssyncadd.remote.s32 $0x1  }
0xbe: {  	_ =	sfence.sel $0xFFFF  }
0xbf: {  	[dreg:$0x0] =	wrdreg $0xFFFFFFFF;
	(pc) =	sbr.abs _section_cstart, $3  }
0xc0: {  	[dreg:$0x1] =	wrdreg $0xFFFFFFFF  }
0xc1: {  	_ =	task.clear_ibuf [dreg:s6], $0x2FFFF;
	_ =	strace $0x9FFFFFFF  }
0xc2: {  	(tm) =	ssettm $0x7FFFFFFF  }
0xc3: {  	_ =	shalt  }
tec
execute0_lowered:
.L_overlay_start_1:
0x0: {  	(tag) =	ssettag $0x1  }
0x1: {  	s0 =	srdreg.scid;
	s5 =	rddreg [dreg:$0x0]  }
0x2: {  	s11 =	stileid.u32;
	s2 =	rddreg [dreg:$0x1];
	s3 =	simm.s32 $0x0  }
0x3: {  	s14 =	simm.s32 $0x80;
	s15 =	simm.s32 $0x5000;
	s16 =	simm.s32 $0x6000  }
0x4: {  	s18 =	simm.s32 $0x7000;
	s20 =	simm.s32 $0x8000;
	s22 =	simm.s32 $0x9000  }
0x5: {  	s23 =	simm.s32 $0x1;
	s28 =	simm.s32 $0x5;
	s29 =	simm.s32 $0x4D80  }
0x6: {  	s30 =	simm.s32 $0x4E00;
	s31 =	simm.s32 $0x4E80;
	s7 =	smul.u32 $0x5000, s11  }
0x7: {  	s0 =	sand.u32 $0x1, s0;
	[smem:$0x7FF] =	sst s3;
	s6 =	smul.u32 $0xA00, s11  }
0x8: {  	s4 =	sadd.s32 $0x1A800, s5;
	s26 =	sshll.u32 s11, $0x6;
	s1 =	sshll.u32 s0, $0x4  }
0x9: {  	_ =	strace $0x8000004A;
	s8 =	smul.u32 $0xA000, s0;
	s0 =	ssub.s32 $0x2, s0  }
0xa: {  	s12 =	sor.u32 $0x1C06, s26;
	s26 =	simm.s32 $0x4;
	s1 =	sor.u32 s11, s1  }
0xb: {  	s9 =	sshrl.u32 s7, $0x3;
	s24 =	sshrl.u32 s0, $0x1;
	s25 =	sadd.s32 s7, s2  }
0xc: {  	s11 =	simm.s32 $0x0;
	s1 =	smul.u32 $0x500, s1;
	s9 =	sadd.s32 s9, s5  }
0xd: {  	s6 =	sadd.s32 s6, s8;
	s0 =	ssub.s32 s0, s24;
	s13 =	sshrl.u32 s25, $0x3  }
0xe: {  	s24 =	simm.s32 $0x2;
	s25 =	simm.s32 $0x3;
	s10 =	sadd.s32 s6, s5  }
0xf: {  	s7 =	sadd.s32 $0x24800, s9;
	s9 =	smax.u32 s0, $0x1;
	s0 =	simm.s32 $0x4F80  }
0x10: {  	s1 =	sadd.s32 s1, s5;
	s8 =	sadd.s32 $0x2E800, s10;
	s10 =	simm.s32 $0x6  }
0x11: {  	s5 =	sadd.s32 $0x10800, s1;
	s6 =	sadd.s32 $0x1800, s1;
	s1 =	simm.s32 $0x4F00  }
.LBB2_1:
0x12: {  	[tilespmem:s3], [sflag:$0x6] =	stream.linear.gather [hbm4b:s5+s3], $0x2800, $0x38;
	[tilespmem:$0xF000] =	vst v63  }
0x13: {  	_ =	swait.ge [sflag:s10], $0x2800  }
0x14: {  	[sflag:s10] =	ssyncset.done $0x0  }
0x15: {  	s17 =	simm.s32 $0x2800;
	[sflag:s10] =	ssyncadd.s32 $0xFFFFD800  }
0x16: {  	[tilespmem:s17], [sflag:$0x6] =	stream.linear.gather [hbm4b:s6+s3], $0x2800, $0x38;
	[tilespmem:$0xF000] =	vst v63  }
0x17: {  	_ =	swait.ge [sflag:s10], $0x2800  }
0x18: {  	[sflag:s10] =	ssyncset.done $0x0  }
0x19: {  	[sflag:s10] =	ssyncadd.s32 $0xFFFFD800  }
0x1a: {  	[spmem:s13], [sflag:s12] =	dma.local [hbm:s7], $0xA00  }
0x1b: {  	_ =	swait.ge [sflag:s10], $0xA00  }
0x1c: {  	[sflag:s10] =	ssyncset.done $0x0  }
0x1d: {  	[sflag:s10] =	ssyncadd.s32 $0xFFFFF600  }
0x1e: {  	[bflag:$0x0] =	sbarrier.arrive $0xFFFF  }
0x1f: {  	[tilespmem:s15], [sflag:$0x1] =	stream.indirect.gather [hbm4b:s4+s14], $0x20, s3, s14, $0xb8;
	[tilespmem:$0xF000] =	vst v63  }
0x20: {  	_ = 	snop  }
0x21: {  	[tilespmem:s16], [sflag:$0x2] =	stream.indirect.gather [hbm4b:s4+s14], $0x20, s14, s14, $0xb8;
	[tilespmem:$0xF000] =	vst v63  }
0x22: {  	s19 =	simm.s32 $0x100  }
0x23: {  	[tilespmem:s18], [sflag:$0x3] =	stream.indirect.gather [hbm4b:s4+s14], $0x20, s19, s14, $0xb8;
	[tilespmem:$0xF000] =	vst v63  }
0x24: {  	s21 =	simm.s32 $0x180  }
0x25: {  	[tilespmem:s20], [sflag:$0x4] =	stream.indirect.gather [hbm4b:s4+s14], $0x20, s21, s14, $0xb8;
	[tilespmem:$0xF000] =	vst v63  }
0x26: {  	s19 =	simm.s32 $0x200  }
0x27: {  	[tilespmem:s22], [sflag:$0x5] =	stream.indirect.gather [hbm4b:s4+s14], $0x20, s19, s14, $0xb8;
	[tilespmem:$0xF000] =	vst v63  }
0x28: {  	_ =	swait.ge [sflag:s23], $0x1000  }
0x29: {  	[sflag:s23] =	ssyncset.done $0x0  }
0x2a: {  	s21 =	simm.s32 $0x2800;
	[sflag:s23] =	ssyncadd.s32 $0xFFFFF000  }
0x2b: {  	[spmem:s2] =	stream.indirect.scatter.add.f32 [tilespmem:s15], [sflag:$0x6], $0x20, s21, s14, $0xb8;
	[tilespmem:$0xF000] =	vst v63  }
0x2c: {  	_ =	swait.ge [sflag:s10], $0x1000  }
0x2d: {  	[sflag:s10] =	ssyncset.done $0x0  }
0x2e: {  	s19 =	simm.s32 $0x280;
	[sflag:s10] =	ssyncadd.s32 $0xFFFFF000  }
0x2f: {  	[tilespmem:s15], [sflag:$0x1] =	stream.indirect.gather [hbm4b:s4+s14], $0x20, s19, s14, $0xb8;
	[tilespmem:$0xF000] =	vst v63  }
0x30: {  	_ =	swait.ge [sflag:s24], $0x1000  }
0x31: {  	[sflag:s24] =	ssyncset.done $0x0  }
0x32: {  	s21 =	simm.s32 $0x2880;
	[sflag:s24] =	ssyncadd.s32 $0xFFFFF000  }
0x33: {  	[spmem:s2] =	stream.indirect.scatter.add.f32 [tilespmem:s16], [sflag:$0x6], $0x20, s21, s14, $0xb8;
	[tilespmem:$0xF000] =	vst v63  }
0x34: {  	_ =	swait.ge [sflag:s10], $0x1000  }
0x35: {  	[sflag:s10] =	ssyncset.done $0x0  }
0x36: {  	s19 =	simm.s32 $0x300;
	[sflag:s10] =	ssyncadd.s32 $0xFFFFF000  }
0x37: {  	[tilespmem:s16], [sflag:$0x2] =	stream.indirect.gather [hbm4b:s4+s14], $0x20, s19, s14, $0xb8;
	[tilespmem:$0xF000] =	vst v63  }
0x38: {  	_ =	swait.ge [sflag:s25], $0x1000  }
0x39: {  	[sflag:s25] =	ssyncset.done $0x0  }
0x3a: {  	s21 =	simm.s32 $0x2900;
	[sflag:s25] =	ssyncadd.s32 $0xFFFFF000  }
0x3b: {  	[spmem:s2] =	stream.indirect.scatter.add.f32 [tilespmem:s18], [sflag:$0x6], $0x20, s21, s14, $0xb8;
	[tilespmem:$0xF000] =	vst v63  }
0x3c: {  	_ =	swait.ge [sflag:s10], $0x1000  }
0x3d: {  	[sflag:s10] =	ssyncset.done $0x0  }
0x3e: {  	s19 =	simm.s32 $0x380;
	[sflag:s10] =	ssyncadd.s32 $0xFFFFF000  }
0x3f: {  	[tilespmem:s18], [sflag:$0x3] =	stream.indirect.gather [hbm4b:s4+s14], $0x20, s19, s14, $0xb8;
	[tilespmem:$0xF000] =	vst v63  }
0x40: {  	_ =	swait.ge [sflag:s26], $0x1000  }
0x41: {  	[sflag:s26] =	ssyncset.done $0x0  }
0x42: {  	s21 =	simm.s32 $0x2980;
	[sflag:s26] =	ssyncadd.s32 $0xFFFFF000  }
0x43: {  	[spmem:s2] =	stream.indirect.scatter.add.f32 [tilespmem:s20], [sflag:$0x6], $0x20, s21, s14, $0xb8;
	[tilespmem:$0xF000] =	vst v63  }
0x44: {  	_ =	swait.ge [sflag:s10], $0x1000  }
0x45: {  	[sflag:s10] =	ssyncset.done $0x0  }
0x46: {  	s19 =	simm.s32 $0x400;
	[sflag:s10] =	ssyncadd.s32 $0xFFFFF000  }
0x47: {  	[tilespmem:s20], [sflag:$0x4] =	stream.indirect.gather [hbm4b:s4+s14], $0x20, s19, s14, $0xb8;
	[tilespmem:$0xF000] =	vst v63  }
0x48: {  	_ =	swait.ge [sflag:s28], $0x1000  }
0x49: {  	[sflag:s28] =	ssyncset.done $0x0  }
0x4a: {  	s21 =	simm.s32 $0x2A00;
	[sflag:s28] =	ssyncadd.s32 $0xFFFFF000  }
0x4b: {  	[spmem:s2] =	stream.indirect.scatter.add.f32 [tilespmem:s22], [sflag:$0x6], $0x20, s21, s14, $0xb8;
	[tilespmem:$0xF000] =	vst v63  }
0x4c: {  	_ =	swait.ge [sflag:s10], $0x1000  }
0x4d: {  	[sflag:s10] =	ssyncset.done $0x0  }
0x4e: {  	s17 =	simm.s32 $0xA00;
	s19 =	simm.s32 $0x480;
	[sflag:s10] =	ssyncadd.s32 $0xFFFFF000  }
.LBB2_2:
0x4f: {  	[tilespmem:s22], [sflag:$0x5] =	stream.indirect.gather [hbm4b:s4+s14], $0x20, s19, s14, $0xb8;
	[tilespmem:$0xF000] =	vst v63  }
0x50: {  	s19 =	smov.u32 s17  }
0x51: {  	p0 =	sne.s32 s17, $0x8C00;
	s17 =	sadd.s32 $0xA00, s17;
	_ =	swait.ge [sflag:s23], $0x1000  }
0x52: {  	s19 =	sshra.s32 s19, $0x2;
	[sflag:s23] =	ssyncset.done $0x0  }
0x53: {  	s21 =	sadd.s32 $0x2800, s19;
	[sflag:s23] =	ssyncadd.s32 $0xFFFFF000  }
0x54: {  	[spmem:s2] =	stream.indirect.scatter.add.f32 [tilespmem:s15], [sflag:$0x6], $0x20, s21, s14, $0xb8;
	[tilespmem:$0xF000] =	vst v63  }
0x55: {  	_ =	swait.ge [sflag:s10], $0x1000  }
0x56: {  	[sflag:s10] =	ssyncset.done $0x0  }
0x57: {  	s21 =	sadd.s32 $0x280, s19;
	[sflag:s10] =	ssyncadd.s32 $0xFFFFF000  }
0x58: {  	[tilespmem:s15], [sflag:$0x1] =	stream.indirect.gather [hbm4b:s4+s14], $0x20, s21, s14, $0xb8;
	[tilespmem:$0xF000] =	vst v63  }
0x59: {  	_ =	swait.ge [sflag:s24], $0x1000  }
0x5a: {  	[sflag:s24] =	ssyncset.done $0x0  }
0x5b: {  	s21 =	sadd.s32 $0x2880, s19;
	[sflag:s24] =	ssyncadd.s32 $0xFFFFF000  }
0x5c: {  	[spmem:s2] =	stream.indirect.scatter.add.f32 [tilespmem:s16], [sflag:$0x6], $0x20, s21, s14, $0xb8;
	[tilespmem:$0xF000] =	vst v63  }
0x5d: {  	_ =	swait.ge [sflag:s10], $0x1000  }
0x5e: {  	[sflag:s10] =	ssyncset.done $0x0  }
0x5f: {  	s21 =	sadd.s32 $0x300, s19;
	[sflag:s10] =	ssyncadd.s32 $0xFFFFF000  }
0x60: {  	[tilespmem:s16], [sflag:$0x2] =	stream.indirect.gather [hbm4b:s4+s14], $0x20, s21, s14, $0xb8;
	[tilespmem:$0xF000] =	vst v63  }
0x61: {  	_ =	swait.ge [sflag:s25], $0x1000  }
0x62: {  	[sflag:s25] =	ssyncset.done $0x0  }
0x63: {  	s21 =	sadd.s32 $0x2900, s19;
	[sflag:s25] =	ssyncadd.s32 $0xFFFFF000  }
0x64: {  	[spmem:s2] =	stream.indirect.scatter.add.f32 [tilespmem:s18], [sflag:$0x6], $0x20, s21, s14, $0xb8;
	[tilespmem:$0xF000] =	vst v63  }
0x65: {  	_ =	swait.ge [sflag:s10], $0x1000  }
0x66: {  	[sflag:s10] =	ssyncset.done $0x0  }
0x67: {  	s21 =	sadd.s32 $0x380, s19;
	[sflag:s10] =	ssyncadd.s32 $0xFFFFF000  }
0x68: {  	[tilespmem:s18], [sflag:$0x3] =	stream.indirect.gather [hbm4b:s4+s14], $0x20, s21, s14, $0xb8;
	[tilespmem:$0xF000] =	vst v63  }
0x69: {  	_ =	swait.ge [sflag:s26], $0x1000  }
0x6a: {  	[sflag:s26] =	ssyncset.done $0x0  }
0x6b: {  	s21 =	sadd.s32 $0x2980, s19;
	[sflag:s26] =	ssyncadd.s32 $0xFFFFF000  }
0x6c: {  	[spmem:s2] =	stream.indirect.scatter.add.f32 [tilespmem:s20], [sflag:$0x6], $0x20, s21, s14, $0xb8;
	[tilespmem:$0xF000] =	vst v63  }
0x6d: {  	_ =	swait.ge [sflag:s10], $0x1000  }
0x6e: {  	[sflag:s10] =	ssyncset.done $0x0  }
0x6f: {  	s21 =	sadd.s32 $0x400, s19;
	[sflag:s10] =	ssyncadd.s32 $0xFFFFF000  }
0x70: {  	[tilespmem:s20], [sflag:$0x4] =	stream.indirect.gather [hbm4b:s4+s14], $0x20, s21, s14, $0xb8;
	[tilespmem:$0xF000] =	vst v63  }
0x71: {  	_ =	swait.ge [sflag:s28], $0x1000  }
0x72: {  	[sflag:s28] =	ssyncset.done $0x0  }
.Ltmp0:
0x73: {  	s21 =	sadd.s32 $0x2A00, s19;
	[sflag:s28] =	ssyncadd.s32 $0xFFFFF000;
	(pc) =	sbr.rel @p0 .LBB2_2-.Ltmp0, $4  }
0x74: {  	[spmem:s2] =	stream.indirect.scatter.add.f32 [tilespmem:s22], [sflag:$0x6], $0x20, s21, s14, $0xb8;
	[tilespmem:$0xF000] =	vst v63  }
0x75: {  	_ =	swait.ge [sflag:s10], $0x1000  }
0x76: {  	[sflag:s10] =	ssyncset.done $0x0  }
0x77: {  	s19 =	sadd.s32 $0x480, s19;
	[sflag:s10] =	ssyncadd.s32 $0xFFFFF000  }
0x78: {  	[tilespmem:s22], [sflag:$0x5] =	stream.indirect.gather [hbm4b:s4+s14], $0x20, s19, s14, $0xb8;
	[tilespmem:$0xF000] =	vst v63  }
0x79: {  	_ =	swait.ge [sflag:s23], $0x1000  }
0x7a: {  	[sflag:s23] =	ssyncset.done $0x0  }
0x7b: {  	[sflag:s23] =	ssyncadd.s32 $0xFFFFF000  }
0x7c: {  	[spmem:s2] =	stream.indirect.scatter.add.f32 [tilespmem:s15], [sflag:$0x6], $0x20, s29, s14, $0xb8;
	[tilespmem:$0xF000] =	vst v63  }
0x7d: {  	_ =	swait.ge [sflag:s10], $0x1000  }
0x7e: {  	[sflag:s10] =	ssyncset.done $0x0  }
0x7f: {  	[sflag:s10] =	ssyncadd.s32 $0xFFFFF000  }
0x80: {  	_ =	swait.ge [sflag:s24], $0x1000  }
0x81: {  	[sflag:s24] =	ssyncset.done $0x0  }
0x82: {  	[sflag:s24] =	ssyncadd.s32 $0xFFFFF000  }
0x83: {  	[spmem:s2] =	stream.indirect.scatter.add.f32 [tilespmem:s16], [sflag:$0x6], $0x20, s30, s14, $0xb8;
	[tilespmem:$0xF000] =	vst v63  }
0x84: {  	_ =	swait.ge [sflag:s10], $0x1000  }
0x85: {  	[sflag:s10] =	ssyncset.done $0x0  }
0x86: {  	[sflag:s10] =	ssyncadd.s32 $0xFFFFF000  }
0x87: {  	_ =	swait.ge [sflag:s25], $0x1000  }
0x88: {  	[sflag:s25] =	ssyncset.done $0x0  }
0x89: {  	[sflag:s25] =	ssyncadd.s32 $0xFFFFF000  }
0x8a: {  	[spmem:s2] =	stream.indirect.scatter.add.f32 [tilespmem:s18], [sflag:$0x6], $0x20, s31, s14, $0xb8;
	[tilespmem:$0xF000] =	vst v63  }
0x8b: {  	_ =	swait.ge [sflag:s10], $0x1000  }
0x8c: {  	[sflag:s10] =	ssyncset.done $0x0  }
0x8d: {  	[sflag:s10] =	ssyncadd.s32 $0xFFFFF000  }
0x8e: {  	_ =	swait.ge [sflag:s26], $0x1000  }
0x8f: {  	[sflag:s26] =	ssyncset.done $0x0  }
0x90: {  	[sflag:s26] =	ssyncadd.s32 $0xFFFFF000  }
0x91: {  	[spmem:s2] =	stream.indirect.scatter.add.f32 [tilespmem:s20], [sflag:$0x6], $0x20, s1, s14, $0xb8;
	[tilespmem:$0xF000] =	vst v63  }
0x92: {  	_ =	swait.ge [sflag:s10], $0x1000  }
0x93: {  	[sflag:s10] =	ssyncset.done $0x0  }
0x94: {  	[sflag:s10] =	ssyncadd.s32 $0xFFFFF000  }
0x95: {  	_ =	swait.ge [sflag:s28], $0x1000  }
0x96: {  	[sflag:s28] =	ssyncset.done $0x0  }
0x97: {  	[sflag:s28] =	ssyncadd.s32 $0xFFFFF000  }
0x98: {  	[spmem:s2] =	stream.indirect.scatter.add.f32 [tilespmem:s22], [sflag:$0x6], $0x20, s0, s14, $0xb8;
	[tilespmem:$0xF000] =	vst v63  }
0x99: {  	_ =	swait.ge [sflag:s10], $0x1000  }
0x9a: {  	s11 =	sadd.s32 $0x1, s11;
	[sflag:s10] =	ssyncset.done $0x0  }
0x9b: {  	p0 =	sne.s32 s11, s9;
	[sflag:s10] =	ssyncadd.s32 $0xFFFFF000  }
.Ltmp1:
0x9c: {  	[bflag:$0x0] =	sbarrier.arrive $0xFFFF;
	(pc) =	sbr.rel @p0 .LBB2_1-.Ltmp1, $4  }
0x9d: {  	[hbm:s8], [sflag:s12] =	dma.local [spmem:s13], $0xA00  }
0x9e: {  	_ =	swait.ge [sflag:s10], $0xA00  }
0x9f: {  	[sflag:s10] =	ssyncset.done $0x0  }
0xa0: {  	[sflag:s10] =	ssyncadd.s32 $0xFFFFF600  }
0xa1: {  	_ =	sfence.sel $0x180000  }
0xa2: {  	[bflag:$0x0] =	sbarrier.arrive $0xFFFF  }
0xa3: {  	_ =	strace $0x9000004A  }
0xa4: {  	s0 =	stileid.u32;
	[bflag:$0x2] =	sbarrier.arrive $0xFFFF  }
0xa5: {  	p0 =	sne.s32 s0, $0x0;
	s0 =	rddreg [dreg:$0x2]  }
0xa6: {  	s0 =	sadd.s32 @!p0 $0x100000, s0  }
0xa7: {  	[sflag:s0] =	ssyncadd.tile.s32 @!p0 $0x1;
	_ =	shalt  }
.Lfunc_end2:
_tile_overlayer_lowered:
.L_overlay_start_2:
0xa8: {  	(tag) =	ssettag $0x2  }
0xa9: {  	s0 =	rddreg [dreg:$0x0];
	s2 =	stileid.u32  }
0xaa: {  	s1 =	rddreg [dreg:$0x1];
	p0 =	sne.s32 s2, $0x0  }
0xab: {  	s3 =	rddreg [dreg:$0x2];
	[bflag:$0x3] =	sbarrier.arrive $0xFFFF;
	s2 =	simm.s32 @!p0 $0x1C06  }
0xac: {  	[timem:s3], [sflag:s2] =	dma.local @!p0 [hbm:s0], s1  }
0xad: {  	s0 =	simm.s32 @!p0 $0x6  }
0xae: {  	_ =	swait.ge @!p0 [sflag:s0], s1  }
0xaf: {  	s1 =	ssub.s32 @!p0 $0x0, s1;
	[sflag:s0] =	ssyncset.done @!p0 $0x0  }
0xb0: {  	[sflag:s0] =	ssyncadd.s32 @!p0 s1  }
0xb1: {  	[bflag:$0x3] =	sbarrier.arrive $0xFFFF  }
0xb2: {  	_ =	shalt  }

// kernel: kernel.14.cloned.1.call-start
scs
__scs_entry_jumppad:
0x0: {  	(pc) =	sbr.rel $0x88, $3  }
0x1: {  	(tag) =	ssettag $0x0;
	lr =	simm.s32 $0x1  }
0x2: {  	[smem:$0x3F9B] =	sst lr;
	_ =	strace $0xD0000000  }
0x3: {  	_ = 	snop  }
0x4: {  	_ = 	snop  }
0x5: {  	_ = 	snop  }
0x6: {  	_ = 	snop  }
0x7: {  	_ = 	snop  }
__scs_overlays_trampoline_lowered:
0x8: {  	[smem:$0x3FAA] =	sst s0  }
0x9: {  	[smem:$0x3FAB] =	sst s1  }
0xa: {  	[smem:$0x3FAC] =	sst s2  }
0xb: {  	[smem:$0x3FAD] =	sst s3  }
0xc: {  	[smem:$0x3FAE] =	sst s4  }
0xd: {  	[smem:$0x3FAF] =	sst s5  }
0xe: {  	[smem:$0x3FB0] =	sst s6  }
0xf: {  	[smem:$0x3FB1] =	sst s7  }
0x10: {  	[smem:$0x3FB2] =	sst s8  }
0x11: {  	[smem:$0x3FB3] =	sst s9;
	s0 =	simm.s32 @!p0 $0x0  }
0x12: {  	s1 =	sld [smem:$0x3F99];
	s0 =	simm.s32 @p0 $0x1  }
0x13: {  	[smem:$0x3FB4] =	sst s0;
	s0 =	simm.s32 @!p1 $0x0  }
0x14: {  	s2 =	sld [smem:$0x3F98];
	s0 =	simm.s32 @p1 $0x1  }
0x15: {  	[smem:$0x3FB5] =	sst s0;
	s0 =	simm.s32 @!p2 $0x0  }
0x16: {  	s3 =	sld [smem:$0x3FDB];
	s0 =	simm.s32 @p2 $0x1  }
0x17: {  	s4 =	simm.s32 $0x1BF5;
	[smem:$0x3FB7] =	sst s0  }
0x18: {  	s0 =	sld [smem:$0x3F9A];
	_ =	swait.ge [sflag:s4], $0x0  }
0x19: {  	s7 =	sld [smem:$0x3F9B]  }
0x1a: {  	s8 =	sadd.s32 $0xFFFFE003, lr  }
0x1b: {  	s9 =	sadd.s32 $0xFFFFFEF7, lr;
	s5 =	simm.s32 $0xFFFFFFFF;
	p2 =	slt.u32 s8, $0xFFFFF086  }
0x1c: {  	p1 =	slt.u32 s9, $0xF7A;
	s5 =	simm.s32 @!p2 $0x0  }
0x1d: {  	s5 =	simm.s32 @p1 $0x1;
	p0 =	seq.s32 s7, s2  }
0x1e: {  	s7 =	smul.u32 @!p0 $0xF7A, s2;
	p2 =	seq.s32 @!p0 s5, $0x0  }
0x1f: {  	s9 =	smul.u32 $0xF7A, s1;
	s8 =	simm.s32 @!p0 $0x1BF5;
	p2 =	por !p2, p0  }
0x20: {  	[sflag:s8] =	ssyncset.s32 @!p0 $0xFFFFF086;
	s6 =	sadd.s32 @!p0 s3, s7;
	s7 =	simm.s32 @!p0 $0x108  }
0x21: {  	s3 =	sadd.s32 s3, s9;
	s6 =	sadd.s32 @!p0 $0x88, s6;
	s7 =	simm.s32 @p2 $0x1082  }
0x22: {  	[simem:s7], [sflag:s8] =	dma.local @!p0 [hbm:s6], $0xF7A  }
0x23: {  	s9 =	sor.u32 $0xD0000000, s2;
	s6 =	simm.s32 $0x108;
	_ =	swait.ge @!p0 [sflag:s8], $0x0  }
0x24: {  	s3 =	sadd.s32 $0x88, s3;
	s6 =	simm.s32 @!p1 $0x1082;
	[sflag:s4] =	ssyncset.s32 $0xFFFFF086  }
0x25: {  	[simem:s6], [sflag:s4] =	dma.local [hbm:s3], $0xF7A  }
0x26: {  	[smem:$0x3F9B] =	sst s1;
	(tag) =	ssettag s2;
	_ =	strace s9  }
0x27: {  	s1 =	sld [smem:$0x3FAB]  }
0x28: {  	s2 =	sld [smem:$0x3FAC]  }
0x29: {  	s4 =	sld [smem:$0x3FAE]  }
0x2a: {  	p0 =	seq.s32 s5, $0x0;
	s5 =	sld [smem:$0x3FAF]  }
0x2b: {  	s6 =	sld [smem:$0x3FB0]  }
0x2c: {  	s7 =	sld [smem:$0x3FB1]  }
0x2d: {  	s3 =	simm.s32 $0x108;
	s8 =	sld [smem:$0x3FB2]  }
0x2e: {  	s3 =	simm.s32 @!p0 $0x1082;
	s9 =	sld [smem:$0x3FB3]  }
0x2f: {  	lr =	sadd.s32 s0, s3;
	s0 =	sld [smem:$0x3FAA]  }
0x30: {  	s3 =	sld [smem:$0x3FAD]  }
0x31: {  	[smem:$0x3FB6] =	sst s10  }
0x32: {  	s10 =	sld [smem:$0x3FB4];
	_ =	sdelay $0x3  }
0x33: {  	p0 =	seq.s32 s10, $0x1;
	s10 =	sld [smem:$0x3FB6];
	_ =	sdelay $0x3  }
0x34: {  	[smem:$0x3FB6] =	sst s10  }
0x35: {  	s10 =	sld [smem:$0x3FB5];
	_ =	sdelay $0x3  }
0x36: {  	p1 =	seq.s32 s10, $0x1;
	s10 =	sld [smem:$0x3FB6];
	_ =	sdelay $0x3  }
0x37: {  	[smem:$0x3FB6] =	sst s10  }
0x38: {  	s10 =	sld [smem:$0x3FB7]  }
0x39: {  	_ = 	snop;
	(pc) =	sbr.ind lr, $3  }
0x3a: {  	_ = 	snop  }
0x3b: {  	_ = 	snop  }
0x3c: {  	p2 =	seq.s32 s10, $0x1;
	s10 =	sld [smem:$0x3FB6]  }
0x3d: {  	_ =	shalt  }
0x3e: {  	_ =	shalt  }
0x3f: {  	_ =	shalt  }
0x40: {  	_ =	shalt  }
0x41: {  	_ =	shalt  }
0x42: {  	_ =	shalt  }
0x43: {  	_ =	shalt  }
0x44: {  	_ =	shalt  }
0x45: {  	_ =	shalt  }
0x46: {  	_ =	shalt  }
0x47: {  	_ =	shalt  }
0x48: {  	_ =	shalt  }
0x49: {  	_ =	shalt  }
0x4a: {  	_ =	shalt  }
0x4b: {  	_ =	shalt  }
0x4c: {  	_ =	shalt  }
0x4d: {  	_ =	shalt  }
0x4e: {  	_ =	shalt  }
0x4f: {  	_ =	shalt  }
0x50: {  	_ =	shalt  }
0x51: {  	_ =	shalt  }
0x52: {  	_ =	shalt  }
0x53: {  	_ =	shalt  }
0x54: {  	_ =	shalt  }
0x55: {  	_ =	shalt  }
0x56: {  	_ =	shalt  }
0x57: {  	_ =	shalt  }
0x58: {  	_ =	shalt  }
0x59: {  	_ =	shalt  }
0x5a: {  	_ =	shalt  }
0x5b: {  	_ =	shalt  }
0x5c: {  	_ =	shalt  }
0x5d: {  	_ =	shalt  }
0x5e: {  	_ =	shalt  }
0x5f: {  	_ =	shalt  }
0x60: {  	_ =	shalt  }
0x61: {  	_ =	shalt  }
0x62: {  	_ =	shalt  }
0x63: {  	_ =	shalt  }
0x64: {  	_ =	shalt  }
0x65: {  	_ =	shalt  }
0x66: {  	_ =	shalt  }
0x67: {  	_ =	shalt  }
0x68: {  	_ =	shalt  }
0x69: {  	_ =	shalt  }
0x6a: {  	_ =	shalt  }
0x6b: {  	_ =	shalt  }
0x6c: {  	_ =	shalt  }
0x6d: {  	_ =	shalt  }
0x6e: {  	_ =	shalt  }
0x6f: {  	_ =	shalt  }
0x70: {  	_ =	shalt  }
0x71: {  	_ =	shalt  }
0x72: {  	_ =	shalt  }
0x73: {  	_ =	shalt  }
0x74: {  	_ =	shalt  }
0x75: {  	_ =	shalt  }
0x76: {  	_ =	shalt  }
0x77: {  	_ =	shalt  }
0x78: {  	_ =	shalt  }
0x79: {  	_ =	shalt  }
0x7a: {  	_ =	shalt  }
0x7b: {  	_ =	shalt  }
0x7c: {  	_ =	shalt  }
0x7d: {  	_ =	shalt  }
0x7e: {  	_ =	shalt  }
0x7f: {  	_ =	shalt  }
0x80: {  	_ =	shalt  }
0x81: {  	_ =	shalt  }
0x82: {  	_ =	shalt  }
0x83: {  	_ =	shalt  }
0x84: {  	_ =	shalt  }
0x85: {  	_ =	shalt  }
0x86: {  	_ =	shalt  }
0x87: {  	_ =	shalt  }
.Lfunc_end0:
.L_simem_size_0:
called_computation.2_lowered:
.L_overlay_start_0:
0x88: {  	s2 =	sld [smem:$0x3FD9]  }
0x89: {  	s3 =	sld [smem:$0x3FFE];
	_ =	sdelay $0x1  }
0x8a: {  	s1 =	srdreg.scid  }
0x8b: {  	s0 =	sand.u32 $0x1, s1  }
0x8c: {  	s16 =	sshll.u32 s0, $0xA;
	s2 =	sadd.s32 s3, s2  }
0x8d: {  	s2 =	sadd.s32 s2, s16  }
0x8e: {  	[smem:$0x3FC2] =	sst s2  }
0x8f: {  	_ = 	snop  }
0x90: {  	(tm) =	ssettm $0x1  }
0x91: {  	s17 =	sld [smem:$0x3FFB];
	_ =	sdelay $0x3  }
0x92: {  	_ =	strace s17  }
0x93: {  	s2 =	sld [smem:$0x3FFC];
	_ =	sdelay $0x3  }
0x94: {  	_ =	strace s2  }
0x95: {  	s2 =	sld [smem:$0x3FFD];
	_ =	sdelay $0x3  }
0x96: {  	_ =	strace s2  }
0x97: {  	_ =	strace $0x8FFFFFFF  }
0x98: {  	s18 =	sld [smem:$0x3FDB];
	_ =	sdelay $0x1  }
0x99: {  	s19 =	simm.s32 $_scs_section_size  }
0x9a: {  	s4 =	simm.s32 $_size__tile_overlayer_lowered;
	s5 =	simm.s32 $_tile_overlayer_lowered  }
0x9b: {  	s22 =	simm.s32 $0x1BFF;
	s21 =	sshll.u32 s5, $0x1;
	s2 =	sadd.s32 s19, s18  }
0x9c: {  	s6 =	simm.s32 $0x0;
	s20 =	sshll.u32 s4, $0x1;
	s4 =	sadd.s32 s21, s2  }
0x9d: {  	[timem:s6], [sflag:s22] =	dma.local [hbm:s4], s20  }
0x9e: {  	_ =	swait.ge [sflag:s22], s20  }
0x9f: {  	s3 =	ssub.s32 $0x0, s20;
	[sflag:s22] =	ssyncset.done $0x0  }
0xa0: {  	[sflag:s22] =	ssyncadd.s32 s3;
	_ =	sdelay $0x1  }
0xa1: {  	s23 =	simm.s32 $0x1B8B  }
0xa2: {  	_ =	swait.ge [sflag:s23], $0x1  }
0xa3: {  	[sflag:s23] =	ssyncset.done $0x0  }
0xa4: {  	s25 =	simm.s32 $0x1B8E;
	s24 =	sld [smem:$0x3FFE];
	[sflag:s23] =	ssyncadd.s32 $0xFFFFFFFF  }
0xa5: {  	s26 =	simm.s32 $execute0_lowered;
	[smem:$0x3FD2] =	sst s25  }
0xa6: {  	s4 =	sshll.u32 s26, $0x1;
	_ =	strace $0x8000004C;
	[dreg:$0x1] =	wrdreg $0xFFFFFFFF  }
0xa7: {  	s28 =	simm.s32 $_size_execute0_lowered;
	s2 =	sadd.s32 s2, s4;
	[dreg:$0x0] =	wrdreg $0x0  }
0xa8: {  	s4 =	sshll.u32 s28, $0x1;
	[dreg:$0x2] =	wrdreg s2  }
0xa9: {  	[dreg:$0x3] =	wrdreg s4  }
0xaa: {  	[dreg:$0x4] =	wrdreg $0xC0  }
0xab: {  	_ =	task [dreg:s6], $0x5FFFF  }
0xac: {  	[dreg:$0x1] =	wrdreg $0xFFFFFFFF  }
0xad: {  	[dreg:$0x0] =	wrdreg $0x60  }
0xae: {  	[dreg:$0x2] =	wrdreg s24  }
0xaf: {  	[dreg:$0x3] =	wrdreg $0x78000  }
0xb0: {  	[dreg:$0x4] =	wrdreg $0x9  }
0xb1: {  	_ =	task.clear_ibuf [dreg:s6], $0x5FFFF;
	_ =	strace $0x9000004C  }
0xb2: {  	s29 =	simm.s32 $0x9;
	_ =	strace $0x8000004E  }
0xb3: {  	_ =	swait.ge [sflag:s29], $0x1  }
0xb4: {  	[sflag:s29] =	ssyncadd.s32 $0xFFFFFFFF  }
0xb5: {  	_ =	strace $0x9000004E  }
0xb6: {  	_ =	sfence  }
0xb7: {  	s30 =	sld [smem:$0x0];
	_ =	sdelay $0x2  }
0xb8: {  	s31 =	sshll.u32 s1, $0xD;
	s1 =	sshrl.u32 s1, $0x2  }
0xb9: {  	s3 =	sand.u32 $0x4000, s31;
	s1 =	sadd.s32 s1, s30  }
0xba: {  	s0 =	sor.u32 s3, s0;
	s1 =	sshll.u32 s1, $0x11  }
0xbb: {  	s0 =	sor.u32 s1, s0  }
0xbc: {  	s0 =	sadd.s32 $0x8F2B, s0  }
0xbd: {  	[sflag:s0] =	ssyncadd.remote.s32 $0x1  }
0xbe: {  	_ =	sfence.sel $0xFFFF  }
0xbf: {  	[dreg:$0x0] =	wrdreg $0xFFFFFFFF;
	(pc) =	sbr.abs _section_cstart, $3  }
0xc0: {  	[dreg:$0x1] =	wrdreg $0xFFFFFFFF  }
0xc1: {  	_ =	task.clear_ibuf [dreg:s6], $0x2FFFF;
	_ =	strace $0x9FFFFFFF  }
0xc2: {  	(tm) =	ssettm $0x7FFFFFFF  }
0xc3: {  	_ =	shalt  }
tec
execute0_lowered:
.L_overlay_start_1:
0x0: {  	(tag) =	ssettag $0x1  }
0x1: {  	s0 =	srdreg.scid;
	s5 =	rddreg [dreg:$0x0]  }
0x2: {  	s11 =	stileid.u32;
	s2 =	rddreg [dreg:$0x1];
	s3 =	simm.s32 $0x0  }
0x3: {  	s14 =	simm.s32 $0x80;
	s15 =	simm.s32 $0x5000;
	s16 =	simm.s32 $0x5800  }
0x4: {  	s18 =	simm.s32 $0x6000;
	s20 =	simm.s32 $0x6800;
	s22 =	simm.s32 $0x7000  }
0x5: {  	s23 =	simm.s32 $0x1;
	s28 =	simm.s32 $0x5;
	s29 =	simm.s32 $0x4D80  }
0x6: {  	s30 =	simm.s32 $0x4E00;
	s31 =	simm.s32 $0x4E80;
	s7 =	smul.u32 $0x2800, s11  }
0x7: {  	s0 =	sand.u32 $0x1, s0;
	[smem:$0x7FF] =	sst s3;
	s6 =	smul.u32 $0x500, s11  }
0x8: {  	s4 =	sadd.s32 $0xB800, s5;
	s26 =	sshll.u32 s11, $0x6;
	s1 =	sshll.u32 s0, $0x4  }
0x9: {  	_ =	strace $0x8000004D;
	s8 =	smul.u32 $0x5000, s0;
	s0 =	ssub.s32 $0x2, s0  }
0xa: {  	s12 =	sor.u32 $0x1C06, s26;
	s26 =	simm.s32 $0x4;
	s1 =	sor.u32 s11, s1  }
0xb: {  	s9 =	sshrl.u32 s7, $0x3;
	s24 =	sshrl.u32 s0, $0x1;
	s25 =	sadd.s32 s7, s2  }
0xc: {  	s11 =	simm.s32 $0x0;
	s1 =	smul.u32 $0x500, s1;
	s9 =	sadd.s32 s9, s5  }
0xd: {  	s6 =	sadd.s32 s6, s8;
	s0 =	ssub.s32 s0, s24;
	s13 =	sshrl.u32 s25, $0x3  }
0xe: {  	s24 =	simm.s32 $0x2;
	s25 =	simm.s32 $0x3;
	s10 =	sadd.s32 s6, s5  }
0xf: {  	s7 =	sadd.s32 $0x1A800, s9;
	s9 =	smax.u32 s0, $0x1;
	s0 =	simm.s32 $0x4F80  }
0x10: {  	s1 =	sadd.s32 s1, s5;
	s8 =	sadd.s32 $0x1F800, s10;
	s10 =	simm.s32 $0x6  }
0x11: {  	s5 =	sadd.s32 $0x10800, s1;
	s6 =	sadd.s32 $0x1800, s1;
	s1 =	simm.s32 $0x4F00  }
.LBB2_1:
0x12: {  	[tilespmem:s3], [sflag:$0x6] =	stream.linear.gather [hbm4b:s5+s3], $0x2800, $0x38;
	[tilespmem:$0xA000] =	vst v63  }
0x13: {  	_ =	swait.ge [sflag:s10], $0x2800  }
0x14: {  	[sflag:s10] =	ssyncset.done $0x0  }
0x15: {  	s17 =	simm.s32 $0x2800;
	[sflag:s10] =	ssyncadd.s32 $0xFFFFD800  }
0x16: {  	[tilespmem:s17], [sflag:$0x6] =	stream.linear.gather [hbm4b:s6+s3], $0x2800, $0x38;
	[tilespmem:$0xA000] =	vst v63  }
0x17: {  	_ =	swait.ge [sflag:s10], $0x2800  }
0x18: {  	[sflag:s10] =	ssyncset.done $0x0  }
0x19: {  	[sflag:s10] =	ssyncadd.s32 $0xFFFFD800  }
0x1a: {  	[spmem:s13], [sflag:s12] =	dma.local [hbm:s7], $0x500  }
0x1b: {  	_ =	swait.ge [sflag:s10], $0x500  }
0x1c: {  	[sflag:s10] =	ssyncset.done $0x0  }
0x1d: {  	[sflag:s10] =	ssyncadd.s32 $0xFFFFFB00  }
0x1e: {  	[bflag:$0x0] =	sbarrier.arrive $0xFFFF  }
0x1f: {  	[tilespmem:s15], [sflag:$0x1] =	stream.indirect.gather [hbm4b:s4+s14], $0x10, s3, s14, $0xb8;
	[tilespmem:$0xA000] =	vst v63  }
0x20: {  	_ = 	snop  }
0x21: {  	[tilespmem:s16], [sflag:$0x2] =	stream.indirect.gather [hbm4b:s4+s14], $0x10, s14, s14, $0xb8;
	[tilespmem:$0xA000] =	vst v63  }
0x22: {  	s19 =	simm.s32 $0x100  }
0x23: {  	[tilespmem:s18], [sflag:$0x3] =	stream.indirect.gather [hbm4b:s4+s14], $0x10, s19, s14, $0xb8;
	[tilespmem:$0xA000] =	vst v63  }
0x24: {  	s21 =	simm.s32 $0x180  }
0x25: {  	[tilespmem:s20], [sflag:$0x4] =	stream.indirect.gather [hbm4b:s4+s14], $0x10, s21, s14, $0xb8;
	[tilespmem:$0xA000] =	vst v63  }
0x26: {  	s19 =	simm.s32 $0x200  }
0x27: {  	[tilespmem:s22], [sflag:$0x5] =	stream.indirect.gather [hbm4b:s4+s14], $0x10, s19, s14, $0xb8;
	[tilespmem:$0xA000] =	vst v63  }
0x28: {  	_ =	swait.ge [sflag:s23], $0x800  }
0x29: {  	[sflag:s23] =	ssyncset.done $0x0  }
0x2a: {  	s21 =	simm.s32 $0x2800;
	[sflag:s23] =	ssyncadd.s32 $0xFFFFF800  }
0x2b: {  	[spmem:s2] =	stream.indirect.scatter.add.f32 [tilespmem:s15], [sflag:$0x6], $0x10, s21, s14, $0xb8;
	[tilespmem:$0xA000] =	vst v63  }
0x2c: {  	_ =	swait.ge [sflag:s10], $0x800  }
0x2d: {  	[sflag:s10] =	ssyncset.done $0x0  }
0x2e: {  	s19 =	simm.s32 $0x280;
	[sflag:s10] =	ssyncadd.s32 $0xFFFFF800  }
0x2f: {  	[tilespmem:s15], [sflag:$0x1] =	stream.indirect.gather [hbm4b:s4+s14], $0x10, s19, s14, $0xb8;
	[tilespmem:$0xA000] =	vst v63  }
0x30: {  	_ =	swait.ge [sflag:s24], $0x800  }
0x31: {  	[sflag:s24] =	ssyncset.done $0x0  }
0x32: {  	s21 =	simm.s32 $0x2880;
	[sflag:s24] =	ssyncadd.s32 $0xFFFFF800  }
0x33: {  	[spmem:s2] =	stream.indirect.scatter.add.f32 [tilespmem:s16], [sflag:$0x6], $0x10, s21, s14, $0xb8;
	[tilespmem:$0xA000] =	vst v63  }
0x34: {  	_ =	swait.ge [sflag:s10], $0x800  }
0x35: {  	[sflag:s10] =	ssyncset.done $0x0  }
0x36: {  	s19 =	simm.s32 $0x300;
	[sflag:s10] =	ssyncadd.s32 $0xFFFFF800  }
0x37: {  	[tilespmem:s16], [sflag:$0x2] =	stream.indirect.gather [hbm4b:s4+s14], $0x10, s19, s14, $0xb8;
	[tilespmem:$0xA000] =	vst v63  }
0x38: {  	_ =	swait.ge [sflag:s25], $0x800  }
0x39: {  	[sflag:s25] =	ssyncset.done $0x0  }
0x3a: {  	s21 =	simm.s32 $0x2900;
	[sflag:s25] =	ssyncadd.s32 $0xFFFFF800  }
0x3b: {  	[spmem:s2] =	stream.indirect.scatter.add.f32 [tilespmem:s18], [sflag:$0x6], $0x10, s21, s14, $0xb8;
	[tilespmem:$0xA000] =	vst v63  }
0x3c: {  	_ =	swait.ge [sflag:s10], $0x800  }
0x3d: {  	[sflag:s10] =	ssyncset.done $0x0  }
0x3e: {  	s19 =	simm.s32 $0x380;
	[sflag:s10] =	ssyncadd.s32 $0xFFFFF800  }
0x3f: {  	[tilespmem:s18], [sflag:$0x3] =	stream.indirect.gather [hbm4b:s4+s14], $0x10, s19, s14, $0xb8;
	[tilespmem:$0xA000] =	vst v63  }
0x40: {  	_ =	swait.ge [sflag:s26], $0x800  }
0x41: {  	[sflag:s26] =	ssyncset.done $0x0  }
0x42: {  	s21 =	simm.s32 $0x2980;
	[sflag:s26] =	ssyncadd.s32 $0xFFFFF800  }
0x43: {  	[spmem:s2] =	stream.indirect.scatter.add.f32 [tilespmem:s20], [sflag:$0x6], $0x10, s21, s14, $0xb8;
	[tilespmem:$0xA000] =	vst v63  }
0x44: {  	_ =	swait.ge [sflag:s10], $0x800  }
0x45: {  	[sflag:s10] =	ssyncset.done $0x0  }
0x46: {  	s19 =	simm.s32 $0x400;
	[sflag:s10] =	ssyncadd.s32 $0xFFFFF800  }
0x47: {  	[tilespmem:s20], [sflag:$0x4] =	stream.indirect.gather [hbm4b:s4+s14], $0x10, s19, s14, $0xb8;
	[tilespmem:$0xA000] =	vst v63  }
0x48: {  	_ =	swait.ge [sflag:s28], $0x800  }
0x49: {  	[sflag:s28] =	ssyncset.done $0x0  }
0x4a: {  	s21 =	simm.s32 $0x2A00;
	[sflag:s28] =	ssyncadd.s32 $0xFFFFF800  }
0x4b: {  	[spmem:s2] =	stream.indirect.scatter.add.f32 [tilespmem:s22], [sflag:$0x6], $0x10, s21, s14, $0xb8;
	[tilespmem:$0xA000] =	vst v63  }
0x4c: {  	_ =	swait.ge [sflag:s10], $0x800  }
0x4d: {  	[sflag:s10] =	ssyncset.done $0x0  }
0x4e: {  	s17 =	simm.s32 $0xA00;
	s19 =	simm.s32 $0x480;
	[sflag:s10] =	ssyncadd.s32 $0xFFFFF800  }
.LBB2_2:
0x4f: {  	[tilespmem:s22], [sflag:$0x5] =	stream.indirect.gather [hbm4b:s4+s14], $0x10, s19, s14, $0xb8;
	[tilespmem:$0xA000] =	vst v63  }
0x50: {  	s19 =	smov.u32 s17  }
0x51: {  	p0 =	sne.s32 s17, $0x8C00;
	s17 =	sadd.s32 $0xA00, s17;
	_ =	swait.ge [sflag:s23], $0x800  }
0x52: {  	s19 =	sshra.s32 s19, $0x2;
	[sflag:s23] =	ssyncset.done $0x0  }
0x53: {  	s21 =	sadd.s32 $0x2800, s19;
	[sflag:s23] =	ssyncadd.s32 $0xFFFFF800  }
0x54: {  	[spmem:s2] =	stream.indirect.scatter.add.f32 [tilespmem:s15], [sflag:$0x6], $0x10, s21, s14, $0xb8;
	[tilespmem:$0xA000] =	vst v63  }
0x55: {  	_ =	swait.ge [sflag:s10], $0x800  }
0x56: {  	[sflag:s10] =	ssyncset.done $0x0  }
0x57: {  	s21 =	sadd.s32 $0x280, s19;
	[sflag:s10] =	ssyncadd.s32 $0xFFFFF800  }
0x58: {  	[tilespmem:s15], [sflag:$0x1] =	stream.indirect.gather [hbm4b:s4+s14], $0x10, s21, s14, $0xb8;
	[tilespmem:$0xA000] =	vst v63  }
0x59: {  	_ =	swait.ge [sflag:s24], $0x800  }
0x5a: {  	[sflag:s24] =	ssyncset.done $0x0  }
0x5b: {  	s21 =	sadd.s32 $0x2880, s19;
	[sflag:s24] =	ssyncadd.s32 $0xFFFFF800  }
0x5c: {  	[spmem:s2] =	stream.indirect.scatter.add.f32 [tilespmem:s16], [sflag:$0x6], $0x10, s21, s14, $0xb8;
	[tilespmem:$0xA000] =	vst v63  }
0x5d: {  	_ =	swait.ge [sflag:s10], $0x800  }
0x5e: {  	[sflag:s10] =	ssyncset.done $0x0  }
0x5f: {  	s21 =	sadd.s32 $0x300, s19;
	[sflag:s10] =	ssyncadd.s32 $0xFFFFF800  }
0x60: {  	[tilespmem:s16], [sflag:$0x2] =	stream.indirect.gather [hbm4b:s4+s14], $0x10, s21, s14, $0xb8;
	[tilespmem:$0xA000] =	vst v63  }
0x61: {  	_ =	swait.ge [sflag:s25], $0x800  }
0x62: {  	[sflag:s25] =	ssyncset.done $0x0  }
0x63: {  	s21 =	sadd.s32 $0x2900, s19;
	[sflag:s25] =	ssyncadd.s32 $0xFFFFF800  }
0x64: {  	[spmem:s2] =	stream.indirect.scatter.add.f32 [tilespmem:s18], [sflag:$0x6], $0x10, s21, s14, $0xb8;
	[tilespmem:$0xA000] =	vst v63  }
0x65: {  	_ =	swait.ge [sflag:s10], $0x800  }
0x66: {  	[sflag:s10] =	ssyncset.done $0x0  }
0x67: {  	s21 =	sadd.s32 $0x380, s19;
	[sflag:s10] =	ssyncadd.s32 $0xFFFFF800  }
0x68: {  	[tilespmem:s18], [sflag:$0x3] =	stream.indirect.gather [hbm4b:s4+s14], $0x10, s21, s14, $0xb8;
	[tilespmem:$0xA000] =	vst v63  }
0x69: {  	_ =	swait.ge [sflag:s26], $0x800  }
0x6a: {  	[sflag:s26] =	ssyncset.done $0x0  }
0x6b: {  	s21 =	sadd.s32 $0x2980, s19;
	[sflag:s26] =	ssyncadd.s32 $0xFFFFF800  }
0x6c: {  	[spmem:s2] =	stream.indirect.scatter.add.f32 [tilespmem:s20], [sflag:$0x6], $0x10, s21, s14, $0xb8;
	[tilespmem:$0xA000] =	vst v63  }
0x6d: {  	_ =	swait.ge [sflag:s10], $0x800  }
0x6e: {  	[sflag:s10] =	ssyncset.done $0x0  }
0x6f: {  	s21 =	sadd.s32 $0x400, s19;
	[sflag:s10] =	ssyncadd.s32 $0xFFFFF800  }
0x70: {  	[tilespmem:s20], [sflag:$0x4] =	stream.indirect.gather [hbm4b:s4+s14], $0x10, s21, s14, $0xb8;
	[tilespmem:$0xA000] =	vst v63  }
0x71: {  	_ =	swait.ge [sflag:s28], $0x800  }
0x72: {  	[sflag:s28] =	ssyncset.done $0x0  }
.Ltmp0:
0x73: {  	s21 =	sadd.s32 $0x2A00, s19;
	[sflag:s28] =	ssyncadd.s32 $0xFFFFF800;
	(pc) =	sbr.rel @p0 .LBB2_2-.Ltmp0, $4  }
0x74: {  	[spmem:s2] =	stream.indirect.scatter.add.f32 [tilespmem:s22], [sflag:$0x6], $0x10, s21, s14, $0xb8;
	[tilespmem:$0xA000] =	vst v63  }
0x75: {  	_ =	swait.ge [sflag:s10], $0x800  }
0x76: {  	[sflag:s10] =	ssyncset.done $0x0  }
0x77: {  	s19 =	sadd.s32 $0x480, s19;
	[sflag:s10] =	ssyncadd.s32 $0xFFFFF800  }
0x78: {  	[tilespmem:s22], [sflag:$0x5] =	stream.indirect.gather [hbm4b:s4+s14], $0x10, s19, s14, $0xb8;
	[tilespmem:$0xA000] =	vst v63  }
0x79: {  	_ =	swait.ge [sflag:s23], $0x800  }
0x7a: {  	[sflag:s23] =	ssyncset.done $0x0  }
0x7b: {  	[sflag:s23] =	ssyncadd.s32 $0xFFFFF800  }
0x7c: {  	[spmem:s2] =	stream.indirect.scatter.add.f32 [tilespmem:s15], [sflag:$0x6], $0x10, s29, s14, $0xb8;
	[tilespmem:$0xA000] =	vst v63  }
0x7d: {  	_ =	swait.ge [sflag:s10], $0x800  }
0x7e: {  	[sflag:s10] =	ssyncset.done $0x0  }
0x7f: {  	[sflag:s10] =	ssyncadd.s32 $0xFFFFF800  }
0x80: {  	_ =	swait.ge [sflag:s24], $0x800  }
0x81: {  	[sflag:s24] =	ssyncset.done $0x0  }
0x82: {  	[sflag:s24] =	ssyncadd.s32 $0xFFFFF800  }
0x83: {  	[spmem:s2] =	stream.indirect.scatter.add.f32 [tilespmem:s16], [sflag:$0x6], $0x10, s30, s14, $0xb8;
	[tilespmem:$0xA000] =	vst v63  }
0x84: {  	_ =	swait.ge [sflag:s10], $0x800  }
0x85: {  	[sflag:s10] =	ssyncset.done $0x0  }
0x86: {  	[sflag:s10] =	ssyncadd.s32 $0xFFFFF800  }
0x87: {  	_ =	swait.ge [sflag:s25], $0x800  }
0x88: {  	[sflag:s25] =	ssyncset.done $0x0  }
0x89: {  	[sflag:s25] =	ssyncadd.s32 $0xFFFFF800  }
0x8a: {  	[spmem:s2] =	stream.indirect.scatter.add.f32 [tilespmem:s18], [sflag:$0x6], $0x10, s31, s14, $0xb8;
	[tilespmem:$0xA000] =	vst v63  }
0x8b: {  	_ =	swait.ge [sflag:s10], $0x800  }
0x8c: {  	[sflag:s10] =	ssyncset.done $0x0  }
0x8d: {  	[sflag:s10] =	ssyncadd.s32 $0xFFFFF800  }
0x8e: {  	_ =	swait.ge [sflag:s26], $0x800  }
0x8f: {  	[sflag:s26] =	ssyncset.done $0x0  }
0x90: {  	[sflag:s26] =	ssyncadd.s32 $0xFFFFF800  }
0x91: {  	[spmem:s2] =	stream.indirect.scatter.add.f32 [tilespmem:s20], [sflag:$0x6], $0x10, s1, s14, $0xb8;
	[tilespmem:$0xA000] =	vst v63  }
0x92: {  	_ =	swait.ge [sflag:s10], $0x800  }
0x93: {  	[sflag:s10] =	ssyncset.done $0x0  }
0x94: {  	[sflag:s10] =	ssyncadd.s32 $0xFFFFF800  }
0x95: {  	_ =	swait.ge [sflag:s28], $0x800  }
0x96: {  	[sflag:s28] =	ssyncset.done $0x0  }
0x97: {  	[sflag:s28] =	ssyncadd.s32 $0xFFFFF800  }
0x98: {  	[spmem:s2] =	stream.indirect.scatter.add.f32 [tilespmem:s22], [sflag:$0x6], $0x10, s0, s14, $0xb8;
	[tilespmem:$0xA000] =	vst v63  }
0x99: {  	_ =	swait.ge [sflag:s10], $0x800  }
0x9a: {  	s11 =	sadd.s32 $0x1, s11;
	[sflag:s10] =	ssyncset.done $0x0  }
0x9b: {  	p0 =	sne.s32 s11, s9;
	[sflag:s10] =	ssyncadd.s32 $0xFFFFF800  }
.Ltmp1:
0x9c: {  	[bflag:$0x0] =	sbarrier.arrive $0xFFFF;
	(pc) =	sbr.rel @p0 .LBB2_1-.Ltmp1, $4  }
0x9d: {  	[hbm:s8], [sflag:s12] =	dma.local [spmem:s13], $0x500  }
0x9e: {  	_ =	swait.ge [sflag:s10], $0x500  }
0x9f: {  	[sflag:s10] =	ssyncset.done $0x0  }
0xa0: {  	[sflag:s10] =	ssyncadd.s32 $0xFFFFFB00  }
0xa1: {  	_ =	sfence.sel $0x180000  }
0xa2: {  	[bflag:$0x0] =	sbarrier.arrive $0xFFFF  }
0xa3: {  	_ =	strace $0x9000004D  }
0xa4: {  	s0 =	stileid.u32;
	[bflag:$0x2] =	sbarrier.arrive $0xFFFF  }
0xa5: {  	p0 =	sne.s32 s0, $0x0;
	s0 =	rddreg [dreg:$0x2]  }
0xa6: {  	s0 =	sadd.s32 @!p0 $0x100000, s0  }
0xa7: {  	[sflag:s0] =	ssyncadd.tile.s32 @!p0 $0x1;
	_ =	shalt  }
.Lfunc_end2:
_tile_overlayer_lowered:
.L_overlay_start_2:
0xa8: {  	(tag) =	ssettag $0x2  }
0xa9: {  	s0 =	rddreg [dreg:$0x0];
	s2 =	stileid.u32  }
0xaa: {  	s1 =	rddreg [dreg:$0x1];
	p0 =	sne.s32 s2, $0x0  }
0xab: {  	s3 =	rddreg [dreg:$0x2];
	[bflag:$0x3] =	sbarrier.arrive $0xFFFF;
	s2 =	simm.s32 @!p0 $0x1C06  }
0xac: {  	[timem:s3], [sflag:s2] =	dma.local @!p0 [hbm:s0], s1  }
0xad: {  	s0 =	simm.s32 @!p0 $0x6  }
0xae: {  	_ =	swait.ge @!p0 [sflag:s0], s1  }
0xaf: {  	s1 =	ssub.s32 @!p0 $0x0, s1;
	[sflag:s0] =	ssyncset.done @!p0 $0x0  }
0xb0: {  	[sflag:s0] =	ssyncadd.s32 @!p0 s1  }
0xb1: {  	[bflag:$0x3] =	sbarrier.arrive $0xFFFF  }
0xb2: {  	_ =	shalt  }

// kernel: kernel.8.cloned.1.call-start
scs
__scs_entry_jumppad:
0x0: {  	(pc) =	sbr.rel $0x88, $3  }
0x1: {  	(tag) =	ssettag $0x0;
	lr =	simm.s32 $0x1  }
0x2: {  	[smem:$0x3F9B] =	sst lr;
	_ =	strace $0xD0000000  }
0x3: {  	_ = 	snop  }
0x4: {  	_ = 	snop  }
0x5: {  	_ = 	snop  }
0x6: {  	_ = 	snop  }
0x7: {  	_ = 	snop  }
__scs_overlays_trampoline_lowered:
0x8: {  	[smem:$0x3FAA] =	sst s0  }
0x9: {  	[smem:$0x3FAB] =	sst s1  }
0xa: {  	[smem:$0x3FAC] =	sst s2  }
0xb: {  	[smem:$0x3FAD] =	sst s3  }
0xc: {  	[smem:$0x3FAE] =	sst s4  }
0xd: {  	[smem:$0x3FAF] =	sst s5  }
0xe: {  	[smem:$0x3FB0] =	sst s6  }
0xf: {  	[smem:$0x3FB1] =	sst s7  }
0x10: {  	[smem:$0x3FB2] =	sst s8  }
0x11: {  	[smem:$0x3FB3] =	sst s9;
	s0 =	simm.s32 @!p0 $0x0  }
0x12: {  	s1 =	sld [smem:$0x3F99];
	s0 =	simm.s32 @p0 $0x1  }
0x13: {  	[smem:$0x3FB4] =	sst s0;
	s0 =	simm.s32 @!p1 $0x0  }
0x14: {  	s2 =	sld [smem:$0x3F98];
	s0 =	simm.s32 @p1 $0x1  }
0x15: {  	[smem:$0x3FB5] =	sst s0;
	s0 =	simm.s32 @!p2 $0x0  }
0x16: {  	s3 =	sld [smem:$0x3FDB];
	s0 =	simm.s32 @p2 $0x1  }
0x17: {  	s4 =	simm.s32 $0x1BF5;
	[smem:$0x3FB7] =	sst s0  }
0x18: {  	s0 =	sld [smem:$0x3F9A];
	_ =	swait.ge [sflag:s4], $0x0  }
0x19: {  	s7 =	sld [smem:$0x3F9B]  }
0x1a: {  	s8 =	sadd.s32 $0xFFFFE003, lr  }
0x1b: {  	s9 =	sadd.s32 $0xFFFFFEF7, lr;
	s5 =	simm.s32 $0xFFFFFFFF;
	p2 =	slt.u32 s8, $0xFFFFF086  }
0x1c: {  	p1 =	slt.u32 s9, $0xF7A;
	s5 =	simm.s32 @!p2 $0x0  }
0x1d: {  	s5 =	simm.s32 @p1 $0x1;
	p0 =	seq.s32 s7, s2  }
0x1e: {  	s7 =	smul.u32 @!p0 $0xF7A, s2;
	p2 =	seq.s32 @!p0 s5, $0x0  }
0x1f: {  	s9 =	smul.u32 $0xF7A, s1;
	s8 =	simm.s32 @!p0 $0x1BF5;
	p2 =	por !p2, p0  }
0x20: {  	[sflag:s8] =	ssyncset.s32 @!p0 $0xFFFFF086;
	s6 =	sadd.s32 @!p0 s3, s7;
	s7 =	simm.s32 @!p0 $0x108  }
0x21: {  	s3 =	sadd.s32 s3, s9;
	s6 =	sadd.s32 @!p0 $0x88, s6;
	s7 =	simm.s32 @p2 $0x1082  }
0x22: {  	[simem:s7], [sflag:s8] =	dma.local @!p0 [hbm:s6], $0xF7A  }
0x23: {  	s9 =	sor.u32 $0xD0000000, s2;
	s6 =	simm.s32 $0x108;
	_ =	swait.ge @!p0 [sflag:s8], $0x0  }
0x24: {  	s3 =	sadd.s32 $0x88, s3;
	s6 =	simm.s32 @!p1 $0x1082;
	[sflag:s4] =	ssyncset.s32 $0xFFFFF086  }
0x25: {  	[simem:s6], [sflag:s4] =	dma.local [hbm:s3], $0xF7A  }
0x26: {  	[smem:$0x3F9B] =	sst s1;
	(tag) =	ssettag s2;
	_ =	strace s9  }
0x27: {  	s1 =	sld [smem:$0x3FAB]  }
0x28: {  	s2 =	sld [smem:$0x3FAC]  }
0x29: {  	s4 =	sld [smem:$0x3FAE]  }
0x2a: {  	p0 =	seq.s32 s5, $0x0;
	s5 =	sld [smem:$0x3FAF]  }
0x2b: {  	s6 =	sld [smem:$0x3FB0]  }
0x2c: {  	s7 =	sld [smem:$0x3FB1]  }
0x2d: {  	s3 =	simm.s32 $0x108;
	s8 =	sld [smem:$0x3FB2]  }
0x2e: {  	s3 =	simm.s32 @!p0 $0x1082;
	s9 =	sld [smem:$0x3FB3]  }
0x2f: {  	lr =	sadd.s32 s0, s3;
	s0 =	sld [smem:$0x3FAA]  }
0x30: {  	s3 =	sld [smem:$0x3FAD]  }
0x31: {  	[smem:$0x3FB6] =	sst s10  }
0x32: {  	s10 =	sld [smem:$0x3FB4];
	_ =	sdelay $0x3  }
0x33: {  	p0 =	seq.s32 s10, $0x1;
	s10 =	sld [smem:$0x3FB6];
	_ =	sdelay $0x3  }
0x34: {  	[smem:$0x3FB6] =	sst s10  }
0x35: {  	s10 =	sld [smem:$0x3FB5];
	_ =	sdelay $0x3  }
0x36: {  	p1 =	seq.s32 s10, $0x1;
	s10 =	sld [smem:$0x3FB6];
	_ =	sdelay $0x3  }
0x37: {  	[smem:$0x3FB6] =	sst s10  }
0x38: {  	s10 =	sld [smem:$0x3FB7]  }
0x39: {  	_ = 	snop;
	(pc) =	sbr.ind lr, $3  }
0x3a: {  	_ = 	snop  }
0x3b: {  	_ = 	snop  }
0x3c: {  	p2 =	seq.s32 s10, $0x1;
	s10 =	sld [smem:$0x3FB6]  }
0x3d: {  	_ =	shalt  }
0x3e: {  	_ =	shalt  }
0x3f: {  	_ =	shalt  }
0x40: {  	_ =	shalt  }
0x41: {  	_ =	shalt  }
0x42: {  	_ =	shalt  }
0x43: {  	_ =	shalt  }
0x44: {  	_ =	shalt  }
0x45: {  	_ =	shalt  }
0x46: {  	_ =	shalt  }
0x47: {  	_ =	shalt  }
0x48: {  	_ =	shalt  }
0x49: {  	_ =	shalt  }
0x4a: {  	_ =	shalt  }
0x4b: {  	_ =	shalt  }
0x4c: {  	_ =	shalt  }
0x4d: {  	_ =	shalt  }
0x4e: {  	_ =	shalt  }
0x4f: {  	_ =	shalt  }
0x50: {  	_ =	shalt  }
0x51: {  	_ =	shalt  }
0x52: {  	_ =	shalt  }
0x53: {  	_ =	shalt  }
0x54: {  	_ =	shalt  }
0x55: {  	_ =	shalt  }
0x56: {  	_ =	shalt  }
0x57: {  	_ =	shalt  }
0x58: {  	_ =	shalt  }
0x59: {  	_ =	shalt  }
0x5a: {  	_ =	shalt  }
0x5b: {  	_ =	shalt  }
0x5c: {  	_ =	shalt  }
0x5d: {  	_ =	shalt  }
0x5e: {  	_ =	shalt  }
0x5f: {  	_ =	shalt  }
0x60: {  	_ =	shalt  }
0x61: {  	_ =	shalt  }
0x62: {  	_ =	shalt  }
0x63: {  	_ =	shalt  }
0x64: {  	_ =	shalt  }
0x65: {  	_ =	shalt  }
0x66: {  	_ =	shalt  }
0x67: {  	_ =	shalt  }
0x68: {  	_ =	shalt  }
0x69: {  	_ =	shalt  }
0x6a: {  	_ =	shalt  }
0x6b: {  	_ =	shalt  }
0x6c: {  	_ =	shalt  }
0x6d: {  	_ =	shalt  }
0x6e: {  	_ =	shalt  }
0x6f: {  	_ =	shalt  }
0x70: {  	_ =	shalt  }
0x71: {  	_ =	shalt  }
0x72: {  	_ =	shalt  }
0x73: {  	_ =	shalt  }
0x74: {  	_ =	shalt  }
0x75: {  	_ =	shalt  }
0x76: {  	_ =	shalt  }
0x77: {  	_ =	shalt  }
0x78: {  	_ =	shalt  }
0x79: {  	_ =	shalt  }
0x7a: {  	_ =	shalt  }
0x7b: {  	_ =	shalt  }
0x7c: {  	_ =	shalt  }
0x7d: {  	_ =	shalt  }
0x7e: {  	_ =	shalt  }
0x7f: {  	_ =	shalt  }
0x80: {  	_ =	shalt  }
0x81: {  	_ =	shalt  }
0x82: {  	_ =	shalt  }
0x83: {  	_ =	shalt  }
0x84: {  	_ =	shalt  }
0x85: {  	_ =	shalt  }
0x86: {  	_ =	shalt  }
0x87: {  	_ =	shalt  }
.Lfunc_end0:
.L_simem_size_0:
called_computation_lowered:
.L_overlay_start_0:
0x88: {  	s2 =	sld [smem:$0x3FD9]  }
0x89: {  	s3 =	sld [smem:$0x3FFE];
	_ =	sdelay $0x1  }
0x8a: {  	s1 =	srdreg.scid  }
0x8b: {  	s0 =	sand.u32 $0x1, s1  }
0x8c: {  	s17 =	sshll.u32 s0, $0xA;
	s2 =	sadd.s32 s3, s2  }
0x8d: {  	s2 =	sadd.s32 s2, s17  }
0x8e: {  	[smem:$0x3FC2] =	sst s2  }
0x8f: {  	_ = 	snop  }
0x90: {  	s2 =	sld [smem:$0x3FD0];
	(tm) =	ssettm $0x1  }
0x91: {  	s18 =	sld [smem:$0x3FFB];
	_ =	sdelay $0x3  }
0x92: {  	_ =	strace s18  }
0x93: {  	s3 =	sld [smem:$0x3FFC];
	_ =	sdelay $0x3  }
0x94: {  	_ =	strace s3  }
0x95: {  	s3 =	sld [smem:$0x3FFD];
	_ =	sdelay $0x3  }
0x96: {  	_ =	strace s3  }
0x97: {  	_ =	strace $0x8FFFFFFF  }
0x98: {  	s19 =	sld [smem:$0x3FDB];
	_ =	sdelay $0x1  }
0x99: {  	s4 =	simm.s32 $_scs_section_size  }
0x9a: {  	s5 =	simm.s32 $_size__tile_overlayer_lowered;
	s6 =	simm.s32 $_tile_overlayer_lowered  }
0x9b: {  	s22 =	simm.s32 $0x1BFF;
	s21 =	sshll.u32 s6, $0x1;
	s3 =	sadd.s32 s4, s19  }
0x9c: {  	s7 =	simm.s32 $0x0;
	s20 =	sshll.u32 s5, $0x1;
	s5 =	sadd.s32 s21, s3  }
0x9d: {  	[timem:s7], [sflag:s22] =	dma.local [hbm:s5], s20  }
0x9e: {  	_ =	swait.ge [sflag:s22], s20  }
0x9f: {  	s4 =	ssub.s32 $0x0, s20;
	[sflag:s22] =	ssyncset.done $0x0  }
0xa0: {  	[sflag:s22] =	ssyncadd.s32 s4;
	_ =	sdelay $0x1  }
0xa1: {  	s23 =	simm.s32 $0x1B8B  }
0xa2: {  	_ =	swait.ge [sflag:s23], $0x1  }
0xa3: {  	[sflag:s23] =	ssyncset.done $0x0  }
0xa4: {  	s25 =	simm.s32 $0x1B8E;
	s24 =	sld [smem:$0x3FFE];
	[sflag:s23] =	ssyncadd.s32 $0xFFFFFFFF  }
0xa5: {  	s26 =	simm.s32 $execute0_lowered;
	[smem:$0x3FD2] =	sst s25  }
0xa6: {  	s5 =	sshll.u32 s26, $0x1;
	_ =	strace $0x80000046;
	[dreg:$0x1] =	wrdreg $0xFFFFFFFF  }
0xa7: {  	s28 =	simm.s32 $_size_execute0_lowered;
	s3 =	sadd.s32 s3, s5;
	[dreg:$0x0] =	wrdreg $0x0  }
0xa8: {  	s5 =	sshll.u32 s28, $0x1;
	[dreg:$0x2] =	wrdreg s3  }
0xa9: {  	[dreg:$0x3] =	wrdreg s5  }
0xaa: {  	[dreg:$0x4] =	wrdreg $0xC0  }
0xab: {  	_ =	task [dreg:s7], $0x5FFFF  }
0xac: {  	[dreg:$0x1] =	wrdreg $0xFFFFFFFF  }
0xad: {  	[dreg:$0x0] =	wrdreg $0x60  }
0xae: {  	[dreg:$0x2] =	wrdreg s24  }
0xaf: {  	[dreg:$0x3] =	wrdreg s2  }
0xb0: {  	[dreg:$0x4] =	wrdreg $0x2C000  }
0xb1: {  	[dreg:$0x5] =	wrdreg $0x9  }
0xb2: {  	_ =	task.clear_ibuf [dreg:s7], $0x6FFFF;
	_ =	strace $0x90000046  }
0xb3: {  	s29 =	simm.s32 $0x9;
	_ =	strace $0x80000048  }
0xb4: {  	_ =	swait.ge [sflag:s29], $0x1  }
0xb5: {  	[sflag:s29] =	ssyncadd.s32 $0xFFFFFFFF  }
0xb6: {  	_ =	strace $0x90000048  }
0xb7: {  	_ =	sfence  }
0xb8: {  	s30 =	sld [smem:$0x0];
	_ =	sdelay $0x2  }
0xb9: {  	s31 =	sshll.u32 s1, $0xD;
	s1 =	sshrl.u32 s1, $0x2  }
0xba: {  	s3 =	sand.u32 $0x4000, s31;
	s1 =	sadd.s32 s1, s30  }
0xbb: {  	s0 =	sor.u32 s3, s0;
	s1 =	sshll.u32 s1, $0x11  }
0xbc: {  	s0 =	sor.u32 s1, s0  }
0xbd: {  	s0 =	sadd.s32 $0x8F2B, s0  }
0xbe: {  	[sflag:s0] =	ssyncadd.remote.s32 $0x1  }
0xbf: {  	_ =	sfence.sel $0xFFFF  }
0xc0: {  	[dreg:$0x0] =	wrdreg $0xFFFFFFFF;
	(pc) =	sbr.abs _section_cstart, $3  }
0xc1: {  	[dreg:$0x1] =	wrdreg $0xFFFFFFFF  }
0xc2: {  	_ =	task.clear_ibuf [dreg:s7], $0x2FFFF;
	_ =	strace $0x9FFFFFFF  }
0xc3: {  	(tm) =	ssettm $0x7FFFFFFF  }
tec
execute0_lowered:
.L_overlay_start_1:
0x0: {  	(tag) =	ssettag $0x1  }
0x1: {  	s5 =	rddreg [dreg:$0x0]  }
0x2: {  	s0 =	srdreg.scid;
	s7 =	rddreg [dreg:$0x1]  }
0x3: {  	s2 =	rddreg [dreg:$0x2];
	s6 =	sand.u32 $0x1, s0;
	s0 =	stileid.u32  }
0x4: {  	s3 =	simm.s32 $0x0;
	s14 =	simm.s32 $0x0;
	s9 =	smul.u32 $0x280, s0  }
0x5: {  	[smem:$0x7FF] =	sst s3;
	s1 =	sshll.u32 s6, $0x4;
	s11 =	smul.u32 $0x1400, s0  }
0x6: {  	s10 =	ssub.s32 $0x2, s6;
	s12 =	smul.u32 $0x2800, s6;
	s31 =	sshll.u32 s0, $0x6  }
0x7: {  	s4 =	sor.u32 s0, s1;
	s1 =	rddreg [dreg:$0x3];
	_ =	strace $0x80000047  }
0x8: {  	s28 =	sshrl.u32 s10, $0x1;
	s4 =	smul.u32 $0x500, s4;
	s9 =	sadd.s32 s9, s5  }
0x9: {  	s10 =	ssub.s32 s10, s28;
	s29 =	sshrl.u32 s11, $0x3;
	s13 =	sadd.s32 s11, s2  }
0xa: {  	s11 =	sor.u32 $0x1C01, s31;
	s6 =	sadd.s32 s7, s29;
	s30 =	sadd.s32 s12, s9  }
0xb: {  	s9 =	simm.s32 $0x1;
	s12 =	sshrl.u32 s13, $0x3;
	s13 =	simm.s32 $0x80  }
0xc: {  	s8 =	sadd.s32 s4, s5;
	s4 =	sadd.s32 $0x1600, s5;
	s7 =	sadd.s32 $0xB800, s30  }
0xd: {  	s5 =	sadd.s32 $0x1800, s8;
	s8 =	smax.u32 s10, $0x1;
	s10 =	simm.s32 $0x2800  }
.LBB2_1:
0xe: {  	[tilespmem:s3], [sflag:$0x1] =	stream.linear.gather [hbm4b:s5+s3], $0x2800, $0x38;
	[tilespmem:$0x2E80] =	vst v63  }
0xf: {  	_ =	swait.ge [sflag:s9], $0x2800  }
0x10: {  	[sflag:s9] =	ssyncset.done $0x0  }
0x11: {  	[sflag:s9] =	ssyncadd.s32 $0xFFFFD800  }
0x12: {  	[tilespmem:s10], [sflag:$0x1] =	stream.linear.gather [hbm4b:s4+s3], $0x400, $0x38;
	[tilespmem:$0x2E80] =	vst v63  }
0x13: {  	_ =	swait.ge [sflag:s9], $0x400  }
0x14: {  	[sflag:s9] =	ssyncset.done $0x0  }
0x15: {  	[sflag:s9] =	ssyncadd.s32 $0xFFFFFC00  }
0x16: {  	[spmem:s12], [sflag:s11] =	dma.local [hbm:s6], $0x280  }
0x17: {  	_ =	swait.ge [sflag:s9], $0x280  }
0x18: {  	[sflag:s9] =	ssyncset.done $0x0  }
0x19: {  	[sflag:s9] =	ssyncadd.s32 $0xFFFFFD80  }
0x1a: {  	s15 =	simm.s32 $0x0;
	[bflag:$0x0] =	sbarrier.arrive $0xFFFF  }
0x1b: {  	[spmem:s2] =	stream.indirect.scatter.add.f32 [tilespmem:s10], [sflag:$0x1], $0x1, s15, s13, $0xb8;
	[tilespmem:$0x2E80] =	vst v63  }
0x1c: {  	_ =	swait.ge [sflag:s9], $0x80  }
0x1d: {  	s15 =	simm.s32 $0x200;
	[sflag:s9] =	ssyncset.done $0x0  }
.LBB2_2:
0x1e: {  	s16 =	sshra.s32 s15, $0x2;
	[sflag:s9] =	ssyncadd.s32 $0xFFFFFF80;
	p0 =	sne.s32 s15, $0x9E00  }
0x1f: {  	[spmem:s2] =	stream.indirect.scatter.add.f32 [tilespmem:s10], [sflag:$0x1], $0x1, s16, s13, $0xb8;
	[tilespmem:$0x2E80] =	vst v63  }
.Ltmp0:
0x20: {  	_ = 	snop;
	(pc) =	sbr.rel @p0 .LBB2_2-.Ltmp0, $4  }
0x21: {  	_ = 	snop  }
0x22: {  	s15 =	sadd.s32 $0x200, s15  }
0x23: {  	_ =	swait.ge [sflag:s9], $0x80  }
0x24: {  	[sflag:s9] =	ssyncset.done $0x0  }
0x25: {  	s14 =	sadd.s32 $0x1, s14  }
0x26: {  	[sflag:s9] =	ssyncadd.s32 $0xFFFFFF80;
	p0 =	sne.s32 s14, s8  }
.Ltmp1:
0x27: {  	[bflag:$0x0] =	sbarrier.arrive $0xFFFF;
	(pc) =	sbr.rel @p0 .LBB2_1-.Ltmp1, $4  }
0x28: {  	[hbm:s7], [sflag:s11] =	dma.local [spmem:s12], $0x280  }
0x29: {  	_ =	swait.ge [sflag:s9], $0x280  }
0x2a: {  	[sflag:s9] =	ssyncset.done $0x0  }
0x2b: {  	[sflag:s9] =	ssyncadd.s32 $0xFFFFFD80  }
0x2c: {  	_ =	sfence.sel $0x180000  }
0x2d: {  	[bflag:$0x0] =	sbarrier.arrive $0xFFFF  }
0x2e: {  	p0 =	sne.s32 s0, $0x0;
	_ =	strace $0x90000047  }
0x2f: {  	s0 =	sadd.s32 @!p0 $0x100000, s1;
	[bflag:$0x2] =	sbarrier.arrive $0xFFFF  }
0x30: {  	[sflag:s0] =	ssyncadd.tile.s32 @!p0 $0x1;
	_ =	shalt  }
.Lfunc_end2:
_tile_overlayer_lowered:
.L_overlay_start_2:
0x31: {  	(tag) =	ssettag $0x2  }
0x32: {  	s0 =	rddreg [dreg:$0x0];
	s2 =	stileid.u32  }
0x33: {  	s1 =	rddreg [dreg:$0x1];
	p0 =	sne.s32 s2, $0x0  }
0x34: {  	s3 =	rddreg [dreg:$0x2];
	[bflag:$0x3] =	sbarrier.arrive $0xFFFF;
	s2 =	simm.s32 @!p0 $0x1C01  }
0x35: {  	[timem:s3], [sflag:s2] =	dma.local @!p0 [hbm:s0], s1  }
0x36: {  	s0 =	simm.s32 @!p0 $0x1  }
0x37: {  	_ =	swait.ge @!p0 [sflag:s0], s1  }
0x38: {  	s1 =	ssub.s32 @!p0 $0x0, s1;
	[sflag:s0] =	ssyncset.done @!p0 $0x0  }
0x39: {  	[sflag:s0] =	ssyncadd.s32 @!p0 s1  }
0x3a: {  	[bflag:$0x3] =	sbarrier.arrive $0xFFFF  }
0x3b: {  	_ =	shalt  }

</sc_bundles>
